<compile_context>
chip_gen: v7x
topology: tpu7x:2x2x1
jax: 0.10.2.dev20260603
libtpu: 0.0.44.dev20260713+nightly
codegen_flags: <defaults>
</compile_context>

<pallas_src>
import functools

import jax
import jax.numpy as jnp
from jax import lax
from jax.experimental import pallas as pl
from jax.experimental.pallas import tpu as pltpu
from jax.experimental.pallas import tpu_sc as plsc

D_MODEL = 128
N_BINS = 8
N_COMB = N_BINS ** 3
BATCH = 16384
HIST = 50
PAD_H = 56
LANES = 128

N_WORKERS = 32
B_PER_W = BATCH // N_WORKERS
NB = 16
CHUNK = NB * PAD_H
N_CHUNKS = B_PER_W // NB
SRC_IDX = NB * LANES
VOPS = (0, 16, 32, 40)


def _table_body(embS_ref, embU_ref, embF_ref, out_ref):
    c = lax.broadcasted_iota(jnp.int32, (N_COMB, N_BINS), 0)
    j = lax.broadcasted_iota(jnp.int32, (N_COMB, N_BINS), 1)
    ohS = jnp.where((c >> 6) == j, 1.0, 0.0)
    ohU = jnp.where(((c >> 3) & 7) == j, 1.0, 0.0)
    ohF = jnp.where((c & 7) == j, 1.0, 0.0)
    out_ref[...] = (
        jnp.dot(ohS, embS_ref[...], preferred_element_type=jnp.float32)
        + jnp.dot(ohU, embU_ref[...], preferred_element_type=jnp.float32)
        + jnp.dot(ohF, embF_ref[...], preferred_element_type=jnp.float32)
    )


def _build_table(embS, embU, embF):
    return pl.pallas_call(
        _table_body,
        out_shape=jax.ShapeDtypeStruct((N_COMB, D_MODEL), jnp.float32),
    )(embS, embU, embF)


def _cidx_body(s_ref, u_ref, f_ref, o_ref):
    blk = s_ref.shape[0]
    c = s_ref[...] * 64 + u_ref[...] * 8 + f_ref[...]
    i0 = lax.broadcasted_iota(jnp.int32, (blk, LANES - HIST), 0)
    i1 = lax.broadcasted_iota(jnp.int32, (blk, LANES - HIST), 1)
    filler = (i0 * 9 + i1 * 13) & (N_COMB - 1)
    o_ref[...] = jnp.concatenate([c, filler], axis=1)


def _combine_idx(binS, binU, binF):
    grid = 16
    blk = BATCH // grid
    in_spec = pl.BlockSpec((blk, HIST), lambda i: (i, 0))
    out_spec = pl.BlockSpec((blk, LANES), lambda i: (i, 0))
    return pl.pallas_call(
        _cidx_body,
        grid=(grid,),
        in_specs=[in_spec, in_spec, in_spec],
        out_specs=out_spec,
        out_shape=jax.ShapeDtypeStruct((BATCH, LANES), jnp.int32),
    )(binS, binU, binF)


_mesh = plsc.VectorSubcoreMesh(core_axis_name="c", subcore_axis_name="s")


NB_H = NB // 2


@functools.partial(
    pl.kernel,
    mesh=_mesh,
    out_type=jax.ShapeDtypeStruct((BATCH, HIST, D_MODEL), jnp.float32),
    scratch_types=[
        pltpu.VMEM((SRC_IDX,), jnp.int32),
        pltpu.VMEM((CHUNK,), jnp.int32),
        pltpu.VMEM((NB, HIST, D_MODEL), jnp.float32),
        pltpu.VMEM_SHARED((N_COMB, D_MODEL), jnp.float32),
        pltpu.SemaphoreType.DMA,
        pltpu.SemaphoreType.DMA,
        pltpu.SemaphoreType.DMA,
        pltpu.SemaphoreType.DMA,
    ],
)
def _sc_lookup(table_hbm, cidx_hbm, out_hbm,
               src_v, idx_v, rows_v, table_sp,
               sem_g0, sem_g1, sem_s0, sem_s1):
    wid = lax.axis_index("s") * 2 + lax.axis_index("c")

    @pl.when(lax.axis_index("s") == 0)
    def _():
        pltpu.sync_copy(table_hbm, table_sp)
    plsc.subcore_barrier()

    def fire_gathers(half, sem):
        for jb in range(half * NB_H, (half + 1) * NB_H):
            pltpu.async_copy(
                table_sp.at[idx_v.at[pl.ds(jb * PAD_H, HIST)]],
                rows_v.at[jb],
                sem,
            )

    def wait_gathers(half, sem):
        for jb in range(half * NB_H, (half + 1) * NB_H):
            pltpu.make_async_copy(
                table_sp.at[idx_v.at[pl.ds(jb * PAD_H, HIST)]],
                rows_v.at[jb],
                sem,
            ).wait()

    def scatter_half(b0, half, sem):
        return pltpu.async_copy(
            rows_v.at[pl.ds(half * NB_H, NB_H)],
            out_hbm.at[pl.ds(b0 + half * NB_H, NB_H)],
            sem,
        )

    def wait_scatter_half(b0, half, sem):
        pltpu.make_async_copy(
            rows_v.at[pl.ds(half * NB_H, NB_H)],
            out_hbm.at[pl.ds(b0 + half * NB_H, NB_H)],
            sem,
        ).wait()

    def body(i, carry):
        b0 = wid * B_PER_W + i * NB
        src_off = pl.multiple_of(b0 * LANES, 8)
        pltpu.sync_copy(cidx_hbm.at[pl.ds(src_off, SRC_IDX)], src_v)
        for jb in range(NB):
            for o in VOPS:
                idx_v[pl.ds(jb * PAD_H + o, 16)] = (
                    src_v[pl.ds(jb * LANES + o, 16)])
        @pl.when(i > 0)
        def _():
            wait_scatter_half(b0 - NB, 0, sem_s0)
        fire_gathers(0, sem_g0)

        @pl.when(i > 0)
        def _():
            wait_scatter_half(b0 - NB, 1, sem_s1)
        fire_gathers(1, sem_g1)

        wait_gathers(0, sem_g0)
        scatter_half(b0, 0, sem_s0)
        wait_gathers(1, sem_g1)
        scatter_half(b0, 1, sem_s1)
        return carry

    lax.fori_loop(0, N_CHUNKS, body, 0)
    last_b0 = wid * B_PER_W + (N_CHUNKS - 1) * NB
    wait_scatter_half(last_b0, 0, sem_s0)
    wait_scatter_half(last_b0, 1, sem_s1)


def kernel(binS, binU, binF, embS, embU, embF):
    table = _build_table(embS, embU, embF)
    cidx = _combine_idx(binS, binU, binF).reshape(BATCH * LANES)
    return _sc_lookup(table, cidx)

# --- scband reference (transcript-rebuilt; emitter-appended) ---
"""Pipeline reference for scband-thermal-embed-10892037063070 (READ-ONLY COPY).

The authoritative reference and input builder live on the scoring server;
editing this copy changes nothing except your own understanding.
"""

import jax, jax.numpy as jnp
import numpy as np

D_MODEL = 128
N_BINS = 8
BATCH = 16384
HIST = 50

def setup_inputs(seed: int = 0) -> dict:
    key = jax.random.key(seed)
    k1, k2, k3, k4, k5, k6 = jax.random.split(key, 6)
    binS = jax.random.randint(k1, (BATCH, HIST), 0, N_BINS, dtype=jnp.int32)
    binU = jax.random.randint(k2, (BATCH, HIST), 0, N_BINS, dtype=jnp.int32)
    binF = jax.random.randint(k3, (BATCH, HIST), 0, N_BINS, dtype=jnp.int32)
    embS = jax.random.normal(k4, (N_BINS, D_MODEL), dtype=jnp.float32)
    embU = jax.random.normal(k5, (N_BINS, D_MODEL), dtype=jnp.float32)
    embF = jax.random.normal(k6, (N_BINS, D_MODEL), dtype=jnp.float32)
    return {"binS": binS, "binU": binU, "binF": binF, "embS": embS, "embU": embU, "embF": embF}

def reference(binS, binU, binF, embS, embU, embF):
    eS = jnp.take(embS, binS, axis=0)
    eU = jnp.take(embU, binU, axis=0)
    eF = jnp.take(embF, binF, axis=0)
    return eS + eU + eF

if __name__ == "__main__":
    import jax
    _d = setup_inputs()
    print(jax.jit(kernel)(*tuple(_d.values())))

</pallas_src>

<mosaic_0001>
#map = affine_map<(d0, d1) -> (0, 0)>
#map1 = affine_map<(d0, d1) -> (0)>
#map2 = affine_map<(d0, d1) -> (0, 0, 0)>
module attributes {stable_mosaic.version = 14 : i64} {
  func.func @_sc_lookup(%arg0: i32, %arg1: i32, %arg2: memref<512x128xf32, #tpu.memory_space<hbm>>, %arg3: memref<2097152xi32, #tpu.memory_space<hbm>>, %arg4: memref<16384x50x128xf32, #tpu.memory_space<hbm>>, %arg5: memref<2048xi32, #tpu.memory_space<vmem>>, %arg6: memref<896xi32, #tpu.memory_space<vmem>>, %arg7: memref<16x50x128xf32, #tpu.memory_space<vmem>>, %arg8: memref<512x128xf32, #tpu.memory_space<vmem_shared>>, %arg9: memref<!tpu.dma_semaphore, #tpu.memory_space<semaphore_mem>>, %arg10: memref<!tpu.dma_semaphore, #tpu.memory_space<semaphore_mem>>, %arg11: memref<!tpu.dma_semaphore, #tpu.memory_space<semaphore_mem>>, %arg12: memref<!tpu.dma_semaphore, #tpu.memory_space<semaphore_mem>>) attributes {dimension_semantics = [#tpu.dimension_semantics<core_parallel>, #tpu.dimension_semantics<subcore_parallel>], iteration_bounds = array<i64: 2, 16>, scalar_prefetch = 0 : i64, scratch_operands = 8 : i64, tpu.core_type = #tpu.core_type<sc_vector_subcore>, window_params = [{transform_indices = #map}, {transform_indices = #map1}, {transform_indices = #map2}]} {
    %mul3A = arith.constant 2 : i32
    %mul3A_0 = arith.muli %arg1, %mul3A : i32
    %add3A = arith.addi %mul3A_0, %arg0 : i32
    %eq3A = arith.constant 0 : i32
    %eq3A_1 = arith.cmpi eq, %arg1, %eq3A : i32
    %convert_element_type3A = arith.extui %eq3A_1 : i1 to i32
    %cond3A = arith.constant 0 : i32
    %cond3A_2 = arith.cmpi ne, %convert_element_type3A, %cond3A : i32
    scf.if %cond3A_2 {
      "tpu.region"() ({
        %run_scoped3A = tpu.sem_alloc : memref<!tpu.dma_semaphore, #tpu.memory_space<semaphore_mem>>
        tpu.enqueue_dma source(%arg2 : memref<512x128xf32, #tpu.memory_space<hbm>>) target(%arg8 : memref<512x128xf32, #tpu.memory_space<vmem_shared>>) target_semaphore(%run_scoped3A : memref<!tpu.dma_semaphore, #tpu.memory_space<semaphore_mem>>)
        tpu.wait_dma2 semaphore(%run_scoped3A : memref<!tpu.dma_semaphore, #tpu.memory_space<semaphore_mem>>) src(%arg2 : memref<512x128xf32, #tpu.memory_space<hbm>>) dst(%arg8 : memref<512x128xf32, #tpu.memory_space<vmem_shared>>)
        tpu.yield
      }) : () -> ()
    } else {
    }
    %barrier3A = arith.constant 0 : index
    tpu.barrier barrier_id(%barrier3A)
    %scan3A = arith.constant 0 : i32
    %scan3A_3 = arith.constant 0 : i32
    %scan3A_4 = arith.constant 32 : i32
    %scan3A_5 = arith.addi %scan3A_3, %scan3A_4 : i32
    %scan3A_6 = arith.constant 1 : i32
    scf.for %scan3A_43 = %scan3A_3 to %scan3A_5 step %scan3A_6  : i32 {
      %mul3A_44 = arith.constant 512 : i32
      %mul3A_45 = arith.muli %add3A, %mul3A_44 : i32
      %mul3A_46 = arith.constant 16 : i32
      %mul3A_47 = arith.muli %scan3A_43, %mul3A_46 : i32
      %add3A_48 = arith.addi %mul3A_45, %mul3A_47 : i32
      %mul3A_49 = arith.constant 128 : i32
      %mul3A_50 = arith.muli %add3A_48, %mul3A_49 : i32
      %multiple_of3A = tpu.assume_multiple %mul3A_50, 8 : i32
      "tpu.region"() ({
        %run_scoped3A = tpu.sem_alloc : memref<!tpu.dma_semaphore, #tpu.memory_space<semaphore_mem>>
        %dma_start3A_857 = tpu.memref_slice %arg3[%multiple_of3A] : memref<2097152xi32, #tpu.memory_space<hbm>> -> memref<2048xi32, #tpu.memory_space<hbm>>
        %dma_start3A_858 = tpu.memref_slice %arg3[%multiple_of3A] : memref<2097152xi32, #tpu.memory_space<hbm>> -> memref<2048xi32, #tpu.memory_space<hbm>>
        tpu.enqueue_dma source(%dma_start3A_858 : memref<2048xi32, #tpu.memory_space<hbm>>) target(%arg5 : memref<2048xi32, #tpu.memory_space<vmem>>) target_semaphore(%run_scoped3A : memref<!tpu.dma_semaphore, #tpu.memory_space<semaphore_mem>>)
        %dma_wait3A_859 = tpu.memref_slice %arg3[%multiple_of3A] : memref<2097152xi32, #tpu.memory_space<hbm>> -> memref<2048xi32, #tpu.memory_space<hbm>>
        %dma_wait3A_860 = tpu.memref_slice %arg3[%multiple_of3A] : memref<2097152xi32, #tpu.memory_space<hbm>> -> memref<2048xi32, #tpu.memory_space<hbm>>
        tpu.wait_dma2 semaphore(%run_scoped3A : memref<!tpu.dma_semaphore, #tpu.memory_space<semaphore_mem>>) src(%dma_wait3A_860 : memref<2048xi32, #tpu.memory_space<hbm>>) dst(%arg5 : memref<2048xi32, #tpu.memory_space<vmem>>)
        tpu.yield
      }) : () -> ()
      %get3A = arith.constant 0 : index
      %get3A_51 = tpu.vector_load %arg5[%get3A] {strides = array<i32>} : memref<2048xi32, #tpu.memory_space<vmem>>, vector<16xi32>,
      %get3A_52 = vector.shape_cast %get3A_51 : vector<16xi32> to vector<16xi32>
      %swap3A = arith.constant 0 : index
      %swap3A_53 = tpu.vector_load %arg6[%swap3A] {strides = array<i32>} : memref<896xi32, #tpu.memory_space<vmem>>, vector<16xi32>,
      %swap3A_54 = vector.shape_cast %swap3A_53 : vector<16xi32> to vector<16xi32>
      %swap3A_55 = vector.shape_cast %get3A_52 : vector<16xi32> to vector<16xi32>
      tpu.vector_store %arg6[%swap3A], %swap3A_55 {strides = array<i32>} : memref<896xi32, #tpu.memory_space<vmem>>, vector<16xi32>,
      %get3A_56 = arith.constant 16 : index
      %get3A_57 = tpu.vector_load %arg5[%get3A_56] {strides = array<i32>} : memref<2048xi32, #tpu.memory_space<vmem>>, vector<16xi32>,
      %get3A_58 = vector.shape_cast %get3A_57 : vector<16xi32> to vector<16xi32>
      %swap3A_59 = arith.constant 16 : index
      %swap3A_60 = tpu.vector_load %arg6[%swap3A_59] {strides = array<i32>} : memref<896xi32, #tpu.memory_space<vmem>>, vector<16xi32>,
      %swap3A_61 = vector.shape_cast %swap3A_60 : vector<16xi32> to vector<16xi32>
      %swap3A_62 = vector.shape_cast %get3A_58 : vector<16xi32> to vector<16xi32>
      tpu.vector_store %arg6[%swap3A_59], %swap3A_62 {strides = array<i32>} : memref<896xi32, #tpu.memory_space<vmem>>, vector<16xi32>,
      %get3A_63 = arith.constant 32 : index
      %get3A_64 = tpu.vector_load %arg5[%get3A_63] {strides = array<i32>} : memref<2048xi32, #tpu.memory_space<vmem>>, vector<16xi32>,
      %get3A_65 = vector.shape_cast %get3A_64 : vector<16xi32> to vector<16xi32>
      %swap3A_66 = arith.constant 32 : index
      %swap3A_67 = tpu.vector_load %arg6[%swap3A_66] {strides = array<i32>} : memref<896xi32, #tpu.memory_space<vmem>>, vector<16xi32>,
      %swap3A_68 = vector.shape_cast %swap3A_67 : vector<16xi32> to vector<16xi32>
      %swap3A_69 = vector.shape_cast %get3A_65 : vector<16xi32> to vector<16xi32>
      tpu.vector_store %arg6[%swap3A_66], %swap3A_69 {strides = array<i32>} : memref<896xi32, #tpu.memory_space<vmem>>, vector<16xi32>,
      %get3A_70 = arith.constant 40 : index
      %get3A_71 = tpu.vector_load %arg5[%get3A_70] {strides = array<i32>} : memref<2048xi32, #tpu.memory_space<vmem>>, vector<16xi32>,
      %get3A_72 = vector.shape_cast %get3A_71 : vector<16xi32> to vector<16xi32>
      %swap3A_73 = arith.constant 40 : index
      %swap3A_74 = tpu.vector_load %arg6[%swap3A_73] {strides = array<i32>} : memref<896xi32, #tpu.memory_space<vmem>>, vector<16xi32>,
      %swap3A_75 = vector.shape_cast %swap3A_74 : vector<16xi32> to vector<16xi32>
      %swap3A_76 = vector.shape_cast %get3A_72 : vector<16xi32> to vector<16xi32>
      tpu.vector_store %arg6[%swap3A_73], %swap3A_76 {strides = array<i32>} : memref<896xi32, #tpu.memory_space<vmem>>, vector<16xi32>,
      %get3A_77 = arith.constant 128 : index
      %get3A_78 = tpu.vector_load %arg5[%get3A_77] {strides = array<i32>} : memref<2048xi32, #tpu.memory_space<vmem>>, vector<16xi32>,
      %get3A_79 = vector.shape_cast %get3A_78 : vector<16xi32> to vector<16xi32>
      %swap3A_80 = arith.constant 56 : index
      %swap3A_81 = tpu.vector_load %arg6[%swap3A_80] {strides = array<i32>} : memref<896xi32, #tpu.memory_space<vmem>>, vector<16xi32>,
      %swap3A_82 = vector.shape_cast %swap3A_81 : vector<16xi32> to vector<16xi32>
      %swap3A_83 = vector.shape_cast %get3A_79 : vector<16xi32> to vector<16xi32>
      tpu.vector_store %arg6[%swap3A_80], %swap3A_83 {strides = array<i32>} : memref<896xi32, #tpu.memory_space<vmem>>, vector<16xi32>,
      %get3A_84 = arith.constant 144 : index
      %get3A_85 = tpu.vector_load %arg5[%get3A_84] {strides = array<i32>} : memref<2048xi32, #tpu.memory_space<vmem>>, vector<16xi32>,
      %get3A_86 = vector.shape_cast %get3A_85 : vector<16xi32> to vector<16xi32>
      %swap3A_87 = arith.constant 72 : index
      %swap3A_88 = tpu.vector_load %arg6[%swap3A_87] {strides = array<i32>} : memref<896xi32, #tpu.memory_space<vmem>>, vector<16xi32>,
      %swap3A_89 = vector.shape_cast %swap3A_88 : vector<16xi32> to vector<16xi32>
      %swap3A_90 = vector.shape_cast %get3A_86 : vector<16xi32> to vector<16xi32>
      tpu.vector_store %arg6[%swap3A_87], %swap3A_90 {strides = array<i32>} : memref<896xi32, #tpu.memory_space<vmem>>, vector<16xi32>,
      %get3A_91 = arith.constant 160 : index
      %get3A_92 = tpu.vector_load %arg5[%get3A_91] {strides = array<i32>} : memref<2048xi32, #tpu.memory_space<vmem>>, vector<16xi32>,
      %get3A_93 = vector.shape_cast %get3A_92 : vector<16xi32> to vector<16xi32>
      %swap3A_94 = arith.constant 88 : index
      %swap3A_95 = tpu.vector_load %arg6[%swap3A_94] {strides = array<i32>} : memref<896xi32, #tpu.memory_space<vmem>>, vector<16xi32>,
      %swap3A_96 = vector.shape_cast %swap3A_95 : vector<16xi32> to vector<16xi32>
      %swap3A_97 = vector.shape_cast %get3A_93 : vector<16xi32> to vector<16xi32>
      tpu.vector_store %arg6[%swap3A_94], %swap3A_97 {strides = array<i32>} : memref<896xi32, #tpu.memory_space<vmem>>, vector<16xi32>,
      %get3A_98 = arith.constant 168 : index
      %get3A_99 = tpu.vector_load %arg5[%get3A_98] {strides = array<i32>} : memref<2048xi32, #tpu.memory_space<vmem>>, vector<16xi32>,
      %get3A_100 = vector.shape_cast %get3A_99 : vector<16xi32> to vector<16xi32>
      %swap3A_101 = arith.constant 96 : index
      %swap3A_102 = tpu.vector_load %arg6[%swap3A_101] {strides = array<i32>} : memref<896xi32, #tpu.memory_space<vmem>>, vector<16xi32>,
      %swap3A_103 = vector.shape_cast %swap3A_102 : vector<16xi32> to vector<16xi32>
      %swap3A_104 = vector.shape_cast %get3A_100 : vector<16xi32> to vector<16xi32>
      tpu.vector_store %arg6[%swap3A_101], %swap3A_104 {strides = array<i32>} : memref<896xi32, #tpu.memory_space<vmem>>, vector<16xi32>,
      %get3A_105 = arith.constant 256 : index
      %get3A_106 = tpu.vector_load %arg5[%get3A_105] {strides = array<i32>} : memref<2048xi32, #tpu.memory_space<vmem>>, vector<16xi32>,
      %get3A_107 = vector.shape_cast %get3A_106 : vector<16xi32> to vector<16xi32>
      %swap3A_108 = arith.constant 112 : index
      %swap3A_109 = tpu.vector_load %arg6[%swap3A_108] {strides = array<i32>} : memref<896xi32, #tpu.memory_space<vmem>>, vector<16xi32>,
      %swap3A_110 = vector.shape_cast %swap3A_109 : vector<16xi32> to vector<16xi32>
      %swap3A_111 = vector.shape_cast %get3A_107 : vector<16xi32> to vector<16xi32>
      tpu.vector_store %arg6[%swap3A_108], %swap3A_111 {strides = array<i32>} : memref<896xi32, #tpu.memory_space<vmem>>, vector<16xi32>,
      %get3A_112 = arith.constant 272 : index
      %get3A_113 = tpu.vector_load %arg5[%get3A_112] {strides = array<i32>} : memref<2048xi32, #tpu.memory_space<vmem>>, vector<16xi32>,
      %get3A_114 = vector.shape_cast %get3A_113 : vector<16xi32> to vector<16xi32>
      %swap3A_115 = arith.constant 128 : index
      %swap3A_116 = tpu.vector_load %arg6[%swap3A_115] {strides = array<i32>} : memref<896xi32, #tpu.memory_space<vmem>>, vector<16xi32>,
      %swap3A_117 = vector.shape_cast %swap3A_116 : vector<16xi32> to vector<16xi32>
      %swap3A_118 = vector.shape_cast %get3A_114 : vector<16xi32> to vector<16xi32>
      tpu.vector_store %arg6[%swap3A_115], %swap3A_118 {strides = array<i32>} : memref<896xi32, #tpu.memory_space<vmem>>, vector<16xi32>,
      %get3A_119 = arith.constant 288 : index
      %get3A_120 = tpu.vector_load %arg5[%get3A_119] {strides = array<i32>} : memref<2048xi32, #tpu.memory_space<vmem>>, vector<16xi32>,
      %get3A_121 = vector.shape_cast %get3A_120 : vector<16xi32> to vector<16xi32>
      %swap3A_122 = arith.constant 144 : index
      %swap3A_123 = tpu.vector_load %arg6[%swap3A_122] {strides = array<i32>} : memref<896xi32, #tpu.memory_space<vmem>>, vector<16xi32>,
      %swap3A_124 = vector.shape_cast %swap3A_123 : vector<16xi32> to vector<16xi32>
      %swap3A_125 = vector.shape_cast %get3A_121 : vector<16xi32> to vector<16xi32>
      tpu.vector_store %arg6[%swap3A_122], %swap3A_125 {strides = array<i32>} : memref<896xi32, #tpu.memory_space<vmem>>, vector<16xi32>,
      %get3A_126 = arith.constant 296 : index
      %get3A_127 = tpu.vector_load %arg5[%get3A_126] {strides = array<i32>} : memref<2048xi32, #tpu.memory_space<vmem>>, vector<16xi32>,
      %get3A_128 = vector.shape_cast %get3A_127 : vector<16xi32> to vector<16xi32>
      %swap3A_129 = arith.constant 152 : index
      %swap3A_130 = tpu.vector_load %arg6[%swap3A_129] {strides = array<i32>} : memref<896xi32, #tpu.memory_space<vmem>>, vector<16xi32>,
      %swap3A_131 = vector.shape_cast %swap3A_130 : vector<16xi32> to vector<16xi32>
      %swap3A_132 = vector.shape_cast %get3A_128 : vector<16xi32> to vector<16xi32>
      tpu.vector_store %arg6[%swap3A_129], %swap3A_132 {strides = array<i32>} : memref<896xi32, #tpu.memory_space<vmem>>, vector<16xi32>,
      %get3A_133 = arith.constant 384 : index
      %get3A_134 = tpu.vector_load %arg5[%get3A_133] {strides = array<i32>} : memref<2048xi32, #tpu.memory_space<vmem>>, vector<16xi32>,
      %get3A_135 = vector.shape_cast %get3A_134 : vector<16xi32> to vector<16xi32>
      %swap3A_136 = arith.constant 168 : index
      %swap3A_137 = tpu.vector_load %arg6[%swap3A_136] {strides = array<i32>} : memref<896xi32, #tpu.memory_space<vmem>>, vector<16xi32>,
      %swap3A_138 = vector.shape_cast %swap3A_137 : vector<16xi32> to vector<16xi32>
      %swap3A_139 = vector.shape_cast %get3A_135 : vector<16xi32> to vector<16xi32>
      tpu.vector_store %arg6[%swap3A_136], %swap3A_139 {strides = array<i32>} : memref<896xi32, #tpu.memory_space<vmem>>, vector<16xi32>,
      %get3A_140 = arith.constant 400 : index
      %get3A_141 = tpu.vector_load %arg5[%get3A_140] {strides = array<i32>} : memref<2048xi32, #tpu.memory_space<vmem>>, vector<16xi32>,
      %get3A_142 = vector.shape_cast %get3A_141 : vector<16xi32> to vector<16xi32>
      %swap3A_143 = arith.constant 184 : index
      %swap3A_144 = tpu.vector_load %arg6[%swap3A_143] {strides = array<i32>} : memref<896xi32, #tpu.memory_space<vmem>>, vector<16xi32>,
      %swap3A_145 = vector.shape_cast %swap3A_144 : vector<16xi32> to vector<16xi32>
      %swap3A_146 = vector.shape_cast %get3A_142 : vector<16xi32> to vector<16xi32>
      tpu.vector_store %arg6[%swap3A_143], %swap3A_146 {strides = array<i32>} : memref<896xi32, #tpu.memory_space<vmem>>, vector<16xi32>,
      %get3A_147 = arith.constant 416 : index
      %get3A_148 = tpu.vector_load %arg5[%get3A_147] {strides = array<i32>} : memref<2048xi32, #tpu.memory_space<vmem>>, vector<16xi32>,
      %get3A_149 = vector.shape_cast %get3A_148 : vector<16xi32> to vector<16xi32>
      %swap3A_150 = arith.constant 200 : index
      %swap3A_151 = tpu.vector_load %arg6[%swap3A_150] {strides = array<i32>} : memref<896xi32, #tpu.memory_space<vmem>>, vector<16xi32>,
      %swap3A_152 = vector.shape_cast %swap3A_151 : vector<16xi32> to vector<16xi32>
      %swap3A_153 = vector.shape_cast %get3A_149 : vector<16xi32> to vector<16xi32>
      tpu.vector_store %arg6[%swap3A_150], %swap3A_153 {strides = array<i32>} : memref<896xi32, #tpu.memory_space<vmem>>, vector<16xi32>,
      %get3A_154 = arith.constant 424 : index
      %get3A_155 = tpu.vector_load %arg5[%get3A_154] {strides = array<i32>} : memref<2048xi32, #tpu.memory_space<vmem>>, vector<16xi32>,
      %get3A_156 = vector.shape_cast %get3A_155 : vector<16xi32> to vector<16xi32>
      %swap3A_157 = arith.constant 208 : index
      %swap3A_158 = tpu.vector_load %arg6[%swap3A_157] {strides = array<i32>} : memref<896xi32, #tpu.memory_space<vmem>>, vector<16xi32>,
      %swap3A_159 = vector.shape_cast %swap3A_158 : vector<16xi32> to vector<16xi32>
      %swap3A_160 = vector.shape_cast %get3A_156 : vector<16xi32> to vector<16xi32>
      tpu.vector_store %arg6[%swap3A_157], %swap3A_160 {strides = array<i32>} : memref<896xi32, #tpu.memory_space<vmem>>, vector<16xi32>,
      %get3A_161 = arith.constant 512 : index
      %get3A_162 = tpu.vector_load %arg5[%get3A_161] {strides = array<i32>} : memref<2048xi32, #tpu.memory_space<vmem>>, vector<16xi32>,
      %get3A_163 = vector.shape_cast %get3A_162 : vector<16xi32> to vector<16xi32>
      %swap3A_164 = arith.constant 224 : index
      %swap3A_165 = tpu.vector_load %arg6[%swap3A_164] {strides = array<i32>} : memref<896xi32, #tpu.memory_space<vmem>>, vector<16xi32>,
      %swap3A_166 = vector.shape_cast %swap3A_165 : vector<16xi32> to vector<16xi32>
      %swap3A_167 = vector.shape_cast %get3A_163 : vector<16xi32> to vector<16xi32>
      tpu.vector_store %arg6[%swap3A_164], %swap3A_167 {strides = array<i32>} : memref<896xi32, #tpu.memory_space<vmem>>, vector<16xi32>,
      %get3A_168 = arith.constant 528 : index
      %get3A_169 = tpu.vector_load %arg5[%get3A_168] {strides = array<i32>} : memref<2048xi32, #tpu.memory_space<vmem>>, vector<16xi32>,
      %get3A_170 = vector.shape_cast %get3A_169 : vector<16xi32> to vector<16xi32>
      %swap3A_171 = arith.constant 240 : index
      %swap3A_172 = tpu.vector_load %arg6[%swap3A_171] {strides = array<i32>} : memref<896xi32, #tpu.memory_space<vmem>>, vector<16xi32>,
      %swap3A_173 = vector.shape_cast %swap3A_172 : vector<16xi32> to vector<16xi32>
      %swap3A_174 = vector.shape_cast %get3A_170 : vector<16xi32> to vector<16xi32>
      tpu.vector_store %arg6[%swap3A_171], %swap3A_174 {strides = array<i32>} : memref<896xi32, #tpu.memory_space<vmem>>, vector<16xi32>,
      %get3A_175 = arith.constant 544 : index
      %get3A_176 = tpu.vector_load %arg5[%get3A_175] {strides = array<i32>} : memref<2048xi32, #tpu.memory_space<vmem>>, vector<16xi32>,
      %get3A_177 = vector.shape_cast %get3A_176 : vector<16xi32> to vector<16xi32>
      %swap3A_178 = arith.constant 256 : index
      %swap3A_179 = tpu.vector_load %arg6[%swap3A_178] {strides = array<i32>} : memref<896xi32, #tpu.memory_space<vmem>>, vector<16xi32>,
      %swap3A_180 = vector.shape_cast %swap3A_179 : vector<16xi32> to vector<16xi32>
      %swap3A_181 = vector.shape_cast %get3A_177 : vector<16xi32> to vector<16xi32>
      tpu.vector_store %arg6[%swap3A_178], %swap3A_181 {strides = array<i32>} : memref<896xi32, #tpu.memory_space<vmem>>, vector<16xi32>,
      %get3A_182 = arith.constant 552 : index
      %get3A_183 = tpu.vector_load %arg5[%get3A_182] {strides = array<i32>} : memref<2048xi32, #tpu.memory_space<vmem>>, vector<16xi32>,
      %get3A_184 = vector.shape_cast %get3A_183 : vector<16xi32> to vector<16xi32>
      %swap3A_185 = arith.constant 264 : index
      %swap3A_186 = tpu.vector_load %arg6[%swap3A_185] {strides = array<i32>} : memref<896xi32, #tpu.memory_space<vmem>>, vector<16xi32>,
      %swap3A_187 = vector.shape_cast %swap3A_186 : vector<16xi32> to vector<16xi32>
      %swap3A_188 = vector.shape_cast %get3A_184 : vector<16xi32> to vector<16xi32>
      tpu.vector_store %arg6[%swap3A_185], %swap3A_188 {strides = array<i32>} : memref<896xi32, #tpu.memory_space<vmem>>, vector<16xi32>,
      %get3A_189 = arith.constant 640 : index
      %get3A_190 = tpu.vector_load %arg5[%get3A_189] {strides = array<i32>} : memref<2048xi32, #tpu.memory_space<vmem>>, vector<16xi32>,
      %get3A_191 = vector.shape_cast %get3A_190 : vector<16xi32> to vector<16xi32>
      %swap3A_192 = arith.constant 280 : index
      %swap3A_193 = tpu.vector_load %arg6[%swap3A_192] {strides = array<i32>} : memref<896xi32, #tpu.memory_space<vmem>>, vector<16xi32>,
      %swap3A_194 = vector.shape_cast %swap3A_193 : vector<16xi32> to vector<16xi32>
      %swap3A_195 = vector.shape_cast %get3A_191 : vector<16xi32> to vector<16xi32>
      tpu.vector_store %arg6[%swap3A_192], %swap3A_195 {strides = array<i32>} : memref<896xi32, #tpu.memory_space<vmem>>, vector<16xi32>,
      %get3A_196 = arith.constant 656 : index
      %get3A_197 = tpu.vector_load %arg5[%get3A_196] {strides = array<i32>} : memref<2048xi32, #tpu.memory_space<vmem>>, vector<16xi32>,
      %get3A_198 = vector.shape_cast %get3A_197 : vector<16xi32> to vector<16xi32>
      %swap3A_199 = arith.constant 296 : index
      %swap3A_200 = tpu.vector_load %arg6[%swap3A_199] {strides = array<i32>} : memref<896xi32, #tpu.memory_space<vmem>>, vector<16xi32>,
      %swap3A_201 = vector.shape_cast %swap3A_200 : vector<16xi32> to vector<16xi32>
      %swap3A_202 = vector.shape_cast %get3A_198 : vector<16xi32> to vector<16xi32>
      tpu.vector_store %arg6[%swap3A_199], %swap3A_202 {strides = array<i32>} : memref<896xi32, #tpu.memory_space<vmem>>, vector<16xi32>,
      %get3A_203 = arith.constant 672 : index
      %get3A_204 = tpu.vector_load %arg5[%get3A_203] {strides = array<i32>} : memref<2048xi32, #tpu.memory_space<vmem>>, vector<16xi32>,
      %get3A_205 = vector.shape_cast %get3A_204 : vector<16xi32> to vector<16xi32>
      %swap3A_206 = arith.constant 312 : index
      %swap3A_207 = tpu.vector_load %arg6[%swap3A_206] {strides = array<i32>} : memref<896xi32, #tpu.memory_space<vmem>>, vector<16xi32>,
      %swap3A_208 = vector.shape_cast %swap3A_207 : vector<16xi32> to vector<16xi32>
      %swap3A_209 = vector.shape_cast %get3A_205 : vector<16xi32> to vector<16xi32>
      tpu.vector_store %arg6[%swap3A_206], %swap3A_209 {strides = array<i32>} : memref<896xi32, #tpu.memory_space<vmem>>, vector<16xi32>,
      %get3A_210 = arith.constant 680 : index
      %get3A_211 = tpu.vector_load %arg5[%get3A_210] {strides = array<i32>} : memref<2048xi32, #tpu.memory_space<vmem>>, vector<16xi32>,
      %get3A_212 = vector.shape_cast %get3A_211 : vector<16xi32> to vector<16xi32>
      %swap3A_213 = arith.constant 320 : index
      %swap3A_214 = tpu.vector_load %arg6[%swap3A_213] {strides = array<i32>} : memref<896xi32, #tpu.memory_space<vmem>>, vector<16xi32>,
      %swap3A_215 = vector.shape_cast %swap3A_214 : vector<16xi32> to vector<16xi32>
      %swap3A_216 = vector.shape_cast %get3A_212 : vector<16xi32> to vector<16xi32>
      tpu.vector_store %arg6[%swap3A_213], %swap3A_216 {strides = array<i32>} : memref<896xi32, #tpu.memory_space<vmem>>, vector<16xi32>,
      %get3A_217 = arith.constant 768 : index
      %get3A_218 = tpu.vector_load %arg5[%get3A_217] {strides = array<i32>} : memref<2048xi32, #tpu.memory_space<vmem>>, vector<16xi32>,
      %get3A_219 = vector.shape_cast %get3A_218 : vector<16xi32> to vector<16xi32>
      %swap3A_220 = arith.constant 336 : index
      %swap3A_221 = tpu.vector_load %arg6[%swap3A_220] {strides = array<i32>} : memref<896xi32, #tpu.memory_space<vmem>>, vector<16xi32>,
      %swap3A_222 = vector.shape_cast %swap3A_221 : vector<16xi32> to vector<16xi32>
      %swap3A_223 = vector.shape_cast %get3A_219 : vector<16xi32> to vector<16xi32>
      tpu.vector_store %arg6[%swap3A_220], %swap3A_223 {strides = array<i32>} : memref<896xi32, #tpu.memory_space<vmem>>, vector<16xi32>,
      %get3A_224 = arith.constant 784 : index
      %get3A_225 = tpu.vector_load %arg5[%get3A_224] {strides = array<i32>} : memref<2048xi32, #tpu.memory_space<vmem>>, vector<16xi32>,
      %get3A_226 = vector.shape_cast %get3A_225 : vector<16xi32> to vector<16xi32>
      %swap3A_227 = arith.constant 352 : index
      %swap3A_228 = tpu.vector_load %arg6[%swap3A_227] {strides = array<i32>} : memref<896xi32, #tpu.memory_space<vmem>>, vector<16xi32>,
      %swap3A_229 = vector.shape_cast %swap3A_228 : vector<16xi32> to vector<16xi32>
      %swap3A_230 = vector.shape_cast %get3A_226 : vector<16xi32> to vector<16xi32>
      tpu.vector_store %arg6[%swap3A_227], %swap3A_230 {strides = array<i32>} : memref<896xi32, #tpu.memory_space<vmem>>, vector<16xi32>,
      %get3A_231 = arith.constant 800 : index
      %get3A_232 = tpu.vector_load %arg5[%get3A_231] {strides = array<i32>} : memref<2048xi32, #tpu.memory_space<vmem>>, vector<16xi32>,
      %get3A_233 = vector.shape_cast %get3A_232 : vector<16xi32> to vector<16xi32>
      %swap3A_234 = arith.constant 368 : index
      %swap3A_235 = tpu.vector_load %arg6[%swap3A_234] {strides = array<i32>} : memref<896xi32, #tpu.memory_space<vmem>>, vector<16xi32>,
      %swap3A_236 = vector.shape_cast %swap3A_235 : vector<16xi32> to vector<16xi32>
      %swap3A_237 = vector.shape_cast %get3A_233 : vector<16xi32> to vector<16xi32>
      tpu.vector_store %arg6[%swap3A_234], %swap3A_237 {strides = array<i32>} : memref<896xi32, #tpu.memory_space<vmem>>, vector<16xi32>,
      %get3A_238 = arith.constant 808 : index
      %get3A_239 = tpu.vector_load %arg5[%get3A_238] {strides = array<i32>} : memref<2048xi32, #tpu.memory_space<vmem>>, vector<16xi32>,
      %get3A_240 = vector.shape_cast %get3A_239 : vector<16xi32> to vector<16xi32>
      %swap3A_241 = arith.constant 376 : index
      %swap3A_242 = tpu.vector_load %arg6[%swap3A_241] {strides = array<i32>} : memref<896xi32, #tpu.memory_space<vmem>>, vector<16xi32>,
      %swap3A_243 = vector.shape_cast %swap3A_242 : vector<16xi32> to vector<16xi32>
      %swap3A_244 = vector.shape_cast %get3A_240 : vector<16xi32> to vector<16xi32>
      tpu.vector_store %arg6[%swap3A_241], %swap3A_244 {strides = array<i32>} : memref<896xi32, #tpu.memory_space<vmem>>, vector<16xi32>,
      %get3A_245 = arith.constant 896 : index
      %get3A_246 = tpu.vector_load %arg5[%get3A_245] {strides = array<i32>} : memref<2048xi32, #tpu.memory_space<vmem>>, vector<16xi32>,
      %get3A_247 = vector.shape_cast %get3A_246 : vector<16xi32> to vector<16xi32>
      %swap3A_248 = arith.constant 392 : index
      %swap3A_249 = tpu.vector_load %arg6[%swap3A_248] {strides = array<i32>} : memref<896xi32, #tpu.memory_space<vmem>>, vector<16xi32>,
      %swap3A_250 = vector.shape_cast %swap3A_249 : vector<16xi32> to vector<16xi32>
      %swap3A_251 = vector.shape_cast %get3A_247 : vector<16xi32> to vector<16xi32>
      tpu.vector_store %arg6[%swap3A_248], %swap3A_251 {strides = array<i32>} : memref<896xi32, #tpu.memory_space<vmem>>, vector<16xi32>,
      %get3A_252 = arith.constant 912 : index
      %get3A_253 = tpu.vector_load %arg5[%get3A_252] {strides = array<i32>} : memref<2048xi32, #tpu.memory_space<vmem>>, vector<16xi32>,
      %get3A_254 = vector.shape_cast %get3A_253 : vector<16xi32> to vector<16xi32>
      %swap3A_255 = arith.constant 408 : index
      %swap3A_256 = tpu.vector_load %arg6[%swap3A_255] {strides = array<i32>} : memref<896xi32, #tpu.memory_space<vmem>>, vector<16xi32>,
      %swap3A_257 = vector.shape_cast %swap3A_256 : vector<16xi32> to vector<16xi32>
      %swap3A_258 = vector.shape_cast %get3A_254 : vector<16xi32> to vector<16xi32>
      tpu.vector_store %arg6[%swap3A_255], %swap3A_258 {strides = array<i32>} : memref<896xi32, #tpu.memory_space<vmem>>, vector<16xi32>,
      %get3A_259 = arith.constant 928 : index
      %get3A_260 = tpu.vector_load %arg5[%get3A_259] {strides = array<i32>} : memref<2048xi32, #tpu.memory_space<vmem>>, vector<16xi32>,
      %get3A_261 = vector.shape_cast %get3A_260 : vector<16xi32> to vector<16xi32>
      %swap3A_262 = arith.constant 424 : index
      %swap3A_263 = tpu.vector_load %arg6[%swap3A_262] {strides = array<i32>} : memref<896xi32, #tpu.memory_space<vmem>>, vector<16xi32>,
      %swap3A_264 = vector.shape_cast %swap3A_263 : vector<16xi32> to vector<16xi32>
      %swap3A_265 = vector.shape_cast %get3A_261 : vector<16xi32> to vector<16xi32>
      tpu.vector_store %arg6[%swap3A_262], %swap3A_265 {strides = array<i32>} : memref<896xi32, #tpu.memory_space<vmem>>, vector<16xi32>,
      %get3A_266 = arith.constant 936 : index
      %get3A_267 = tpu.vector_load %arg5[%get3A_266] {strides = array<i32>} : memref<2048xi32, #tpu.memory_space<vmem>>, vector<16xi32>,
      %get3A_268 = vector.shape_cast %get3A_267 : vector<16xi32> to vector<16xi32>
      %swap3A_269 = arith.constant 432 : index
      %swap3A_270 = tpu.vector_load %arg6[%swap3A_269] {strides = array<i32>} : memref<896xi32, #tpu.memory_space<vmem>>, vector<16xi32>,
      %swap3A_271 = vector.shape_cast %swap3A_270 : vector<16xi32> to vector<16xi32>
      %swap3A_272 = vector.shape_cast %get3A_268 : vector<16xi32> to vector<16xi32>
      tpu.vector_store %arg6[%swap3A_269], %swap3A_272 {strides = array<i32>} : memref<896xi32, #tpu.memory_space<vmem>>, vector<16xi32>,
      %get3A_273 = arith.constant 1024 : index
      %get3A_274 = tpu.vector_load %arg5[%get3A_273] {strides = array<i32>} : memref<2048xi32, #tpu.memory_space<vmem>>, vector<16xi32>,
      %get3A_275 = vector.shape_cast %get3A_274 : vector<16xi32> to vector<16xi32>
      %swap3A_276 = arith.constant 448 : index
      %swap3A_277 = tpu.vector_load %arg6[%swap3A_276] {strides = array<i32>} : memref<896xi32, #tpu.memory_space<vmem>>, vector<16xi32>,
      %swap3A_278 = vector.shape_cast %swap3A_277 : vector<16xi32> to vector<16xi32>
      %swap3A_279 = vector.shape_cast %get3A_275 : vector<16xi32> to vector<16xi32>
      tpu.vector_store %arg6[%swap3A_276], %swap3A_279 {strides = array<i32>} : memref<896xi32, #tpu.memory_space<vmem>>, vector<16xi32>,
      %get3A_280 = arith.constant 1040 : index
      %get3A_281 = tpu.vector_load %arg5[%get3A_280] {strides = array<i32>} : memref<2048xi32, #tpu.memory_space<vmem>>, vector<16xi32>,
      %get3A_282 = vector.shape_cast %get3A_281 : vector<16xi32> to vector<16xi32>
      %swap3A_283 = arith.constant 464 : index
      %swap3A_284 = tpu.vector_load %arg6[%swap3A_283] {strides = array<i32>} : memref<896xi32, #tpu.memory_space<vmem>>, vector<16xi32>,
      %swap3A_285 = vector.shape_cast %swap3A_284 : vector<16xi32> to vector<16xi32>
      %swap3A_286 = vector.shape_cast %get3A_282 : vector<16xi32> to vector<16xi32>
      tpu.vector_store %arg6[%swap3A_283], %swap3A_286 {strides = array<i32>} : memref<896xi32, #tpu.memory_space<vmem>>, vector<16xi32>,
      %get3A_287 = arith.constant 1056 : index
      %get3A_288 = tpu.vector_load %arg5[%get3A_287] {strides = array<i32>} : memref<2048xi32, #tpu.memory_space<vmem>>, vector<16xi32>,
      %get3A_289 = vector.shape_cast %get3A_288 : vector<16xi32> to vector<16xi32>
      %swap3A_290 = arith.constant 480 : index
      %swap3A_291 = tpu.vector_load %arg6[%swap3A_290] {strides = array<i32>} : memref<896xi32, #tpu.memory_space<vmem>>, vector<16xi32>,
      %swap3A_292 = vector.shape_cast %swap3A_291 : vector<16xi32> to vector<16xi32>
      %swap3A_293 = vector.shape_cast %get3A_289 : vector<16xi32> to vector<16xi32>
      tpu.vector_store %arg6[%swap3A_290], %swap3A_293 {strides = array<i32>} : memref<896xi32, #tpu.memory_space<vmem>>, vector<16xi32>,
      %get3A_294 = arith.constant 1064 : index
      %get3A_295 = tpu.vector_load %arg5[%get3A_294] {strides = array<i32>} : memref<2048xi32, #tpu.memory_space<vmem>>, vector<16xi32>,
      %get3A_296 = vector.shape_cast %get3A_295 : vector<16xi32> to vector<16xi32>
      %swap3A_297 = arith.constant 488 : index
      %swap3A_298 = tpu.vector_load %arg6[%swap3A_297] {strides = array<i32>} : memref<896xi32, #tpu.memory_space<vmem>>, vector<16xi32>,
      %swap3A_299 = vector.shape_cast %swap3A_298 : vector<16xi32> to vector<16xi32>
      %swap3A_300 = vector.shape_cast %get3A_296 : vector<16xi32> to vector<16xi32>
      tpu.vector_store %arg6[%swap3A_297], %swap3A_300 {strides = array<i32>} : memref<896xi32, #tpu.memory_space<vmem>>, vector<16xi32>,
      %get3A_301 = arith.constant 1152 : index
      %get3A_302 = tpu.vector_load %arg5[%get3A_301] {strides = array<i32>} : memref<2048xi32, #tpu.memory_space<vmem>>, vector<16xi32>,
      %get3A_303 = vector.shape_cast %get3A_302 : vector<16xi32> to vector<16xi32>
      %swap3A_304 = arith.constant 504 : index
      %swap3A_305 = tpu.vector_load %arg6[%swap3A_304] {strides = array<i32>} : memref<896xi32, #tpu.memory_space<vmem>>, vector<16xi32>,
      %swap3A_306 = vector.shape_cast %swap3A_305 : vector<16xi32> to vector<16xi32>
      %swap3A_307 = vector.shape_cast %get3A_303 : vector<16xi32> to vector<16xi32>
      tpu.vector_store %arg6[%swap3A_304], %swap3A_307 {strides = array<i32>} : memref<896xi32, #tpu.memory_space<vmem>>, vector<16xi32>,
      %get3A_308 = arith.constant 1168 : index
      %get3A_309 = tpu.vector_load %arg5[%get3A_308] {strides = array<i32>} : memref<2048xi32, #tpu.memory_space<vmem>>, vector<16xi32>,
      %get3A_310 = vector.shape_cast %get3A_309 : vector<16xi32> to vector<16xi32>
      %swap3A_311 = arith.constant 520 : index
      %swap3A_312 = tpu.vector_load %arg6[%swap3A_311] {strides = array<i32>} : memref<896xi32, #tpu.memory_space<vmem>>, vector<16xi32>,
      %swap3A_313 = vector.shape_cast %swap3A_312 : vector<16xi32> to vector<16xi32>
      %swap3A_314 = vector.shape_cast %get3A_310 : vector<16xi32> to vector<16xi32>
      tpu.vector_store %arg6[%swap3A_311], %swap3A_314 {strides = array<i32>} : memref<896xi32, #tpu.memory_space<vmem>>, vector<16xi32>,
      %get3A_315 = arith.constant 1184 : index
      %get3A_316 = tpu.vector_load %arg5[%get3A_315] {strides = array<i32>} : memref<2048xi32, #tpu.memory_space<vmem>>, vector<16xi32>,
      %get3A_317 = vector.shape_cast %get3A_316 : vector<16xi32> to vector<16xi32>
      %swap3A_318 = arith.constant 536 : index
      %swap3A_319 = tpu.vector_load %arg6[%swap3A_318] {strides = array<i32>} : memref<896xi32, #tpu.memory_space<vmem>>, vector<16xi32>,
      %swap3A_320 = vector.shape_cast %swap3A_319 : vector<16xi32> to vector<16xi32>
      %swap3A_321 = vector.shape_cast %get3A_317 : vector<16xi32> to vector<16xi32>
      tpu.vector_store %arg6[%swap3A_318], %swap3A_321 {strides = array<i32>} : memref<896xi32, #tpu.memory_space<vmem>>, vector<16xi32>,
      %get3A_322 = arith.constant 1192 : index
      %get3A_323 = tpu.vector_load %arg5[%get3A_322] {strides = array<i32>} : memref<2048xi32, #tpu.memory_space<vmem>>, vector<16xi32>,
      %get3A_324 = vector.shape_cast %get3A_323 : vector<16xi32> to vector<16xi32>
      %swap3A_325 = arith.constant 544 : index
      %swap3A_326 = tpu.vector_load %arg6[%swap3A_325] {strides = array<i32>} : memref<896xi32, #tpu.memory_space<vmem>>, vector<16xi32>,
      %swap3A_327 = vector.shape_cast %swap3A_326 : vector<16xi32> to vector<16xi32>
      %swap3A_328 = vector.shape_cast %get3A_324 : vector<16xi32> to vector<16xi32>
      tpu.vector_store %arg6[%swap3A_325], %swap3A_328 {strides = array<i32>} : memref<896xi32, #tpu.memory_space<vmem>>, vector<16xi32>,
      %get3A_329 = arith.constant 1280 : index
      %get3A_330 = tpu.vector_load %arg5[%get3A_329] {strides = array<i32>} : memref<2048xi32, #tpu.memory_space<vmem>>, vector<16xi32>,
      %get3A_331 = vector.shape_cast %get3A_330 : vector<16xi32> to vector<16xi32>
      %swap3A_332 = arith.constant 560 : index
      %swap3A_333 = tpu.vector_load %arg6[%swap3A_332] {strides = array<i32>} : memref<896xi32, #tpu.memory_space<vmem>>, vector<16xi32>,
      %swap3A_334 = vector.shape_cast %swap3A_333 : vector<16xi32> to vector<16xi32>
      %swap3A_335 = vector.shape_cast %get3A_331 : vector<16xi32> to vector<16xi32>
      tpu.vector_store %arg6[%swap3A_332], %swap3A_335 {strides = array<i32>} : memref<896xi32, #tpu.memory_space<vmem>>, vector<16xi32>,
      %get3A_336 = arith.constant 1296 : index
      %get3A_337 = tpu.vector_load %arg5[%get3A_336] {strides = array<i32>} : memref<2048xi32, #tpu.memory_space<vmem>>, vector<16xi32>,
      %get3A_338 = vector.shape_cast %get3A_337 : vector<16xi32> to vector<16xi32>
      %swap3A_339 = arith.constant 576 : index
      %swap3A_340 = tpu.vector_load %arg6[%swap3A_339] {strides = array<i32>} : memref<896xi32, #tpu.memory_space<vmem>>, vector<16xi32>,
      %swap3A_341 = vector.shape_cast %swap3A_340 : vector<16xi32> to vector<16xi32>
      %swap3A_342 = vector.shape_cast %get3A_338 : vector<16xi32> to vector<16xi32>
      tpu.vector_store %arg6[%swap3A_339], %swap3A_342 {strides = array<i32>} : memref<896xi32, #tpu.memory_space<vmem>>, vector<16xi32>,
      %get3A_343 = arith.constant 1312 : index
      %get3A_344 = tpu.vector_load %arg5[%get3A_343] {strides = array<i32>} : memref<2048xi32, #tpu.memory_space<vmem>>, vector<16xi32>,
      %get3A_345 = vector.shape_cast %get3A_344 : vector<16xi32> to vector<16xi32>
      %swap3A_346 = arith.constant 592 : index
      %swap3A_347 = tpu.vector_load %arg6[%swap3A_346] {strides = array<i32>} : memref<896xi32, #tpu.memory_space<vmem>>, vector<16xi32>,
      %swap3A_348 = vector.shape_cast %swap3A_347 : vector<16xi32> to vector<16xi32>
      %swap3A_349 = vector.shape_cast %get3A_345 : vector<16xi32> to vector<16xi32>
      tpu.vector_store %arg6[%swap3A_346], %swap3A_349 {strides = array<i32>} : memref<896xi32, #tpu.memory_space<vmem>>, vector<16xi32>,
      %get3A_350 = arith.constant 1320 : index
      %get3A_351 = tpu.vector_load %arg5[%get3A_350] {strides = array<i32>} : memref<2048xi32, #tpu.memory_space<vmem>>, vector<16xi32>,
      %get3A_352 = vector.shape_cast %get3A_351 : vector<16xi32> to vector<16xi32>
      %swap3A_353 = arith.constant 600 : index
      %swap3A_354 = tpu.vector_load %arg6[%swap3A_353] {strides = array<i32>} : memref<896xi32, #tpu.memory_space<vmem>>, vector<16xi32>,
      %swap3A_355 = vector.shape_cast %swap3A_354 : vector<16xi32> to vector<16xi32>
      %swap3A_356 = vector.shape_cast %get3A_352 : vector<16xi32> to vector<16xi32>
      tpu.vector_store %arg6[%swap3A_353], %swap3A_356 {strides = array<i32>} : memref<896xi32, #tpu.memory_space<vmem>>, vector<16xi32>,
      %get3A_357 = arith.constant 1408 : index
      %get3A_358 = tpu.vector_load %arg5[%get3A_357] {strides = array<i32>} : memref<2048xi32, #tpu.memory_space<vmem>>, vector<16xi32>,
      %get3A_359 = vector.shape_cast %get3A_358 : vector<16xi32> to vector<16xi32>
      %swap3A_360 = arith.constant 616 : index
      %swap3A_361 = tpu.vector_load %arg6[%swap3A_360] {strides = array<i32>} : memref<896xi32, #tpu.memory_space<vmem>>, vector<16xi32>,
      %swap3A_362 = vector.shape_cast %swap3A_361 : vector<16xi32> to vector<16xi32>
      %swap3A_363 = vector.shape_cast %get3A_359 : vector<16xi32> to vector<16xi32>
      tpu.vector_store %arg6[%swap3A_360], %swap3A_363 {strides = array<i32>} : memref<896xi32, #tpu.memory_space<vmem>>, vector<16xi32>,
      %get3A_364 = arith.constant 1424 : index
      %get3A_365 = tpu.vector_load %arg5[%get3A_364] {strides = array<i32>} : memref<2048xi32, #tpu.memory_space<vmem>>, vector<16xi32>,
      %get3A_366 = vector.shape_cast %get3A_365 : vector<16xi32> to vector<16xi32>
      %swap3A_367 = arith.constant 632 : index
      %swap3A_368 = tpu.vector_load %arg6[%swap3A_367] {strides = array<i32>} : memref<896xi32, #tpu.memory_space<vmem>>, vector<16xi32>,
      %swap3A_369 = vector.shape_cast %swap3A_368 : vector<16xi32> to vector<16xi32>
      %swap3A_370 = vector.shape_cast %get3A_366 : vector<16xi32> to vector<16xi32>
      tpu.vector_store %arg6[%swap3A_367], %swap3A_370 {strides = array<i32>} : memref<896xi32, #tpu.memory_space<vmem>>, vector<16xi32>,
      %get3A_371 = arith.constant 1440 : index
      %get3A_372 = tpu.vector_load %arg5[%get3A_371] {strides = array<i32>} : memref<2048xi32, #tpu.memory_space<vmem>>, vector<16xi32>,
      %get3A_373 = vector.shape_cast %get3A_372 : vector<16xi32> to vector<16xi32>
      %swap3A_374 = arith.constant 648 : index
      %swap3A_375 = tpu.vector_load %arg6[%swap3A_374] {strides = array<i32>} : memref<896xi32, #tpu.memory_space<vmem>>, vector<16xi32>,
      %swap3A_376 = vector.shape_cast %swap3A_375 : vector<16xi32> to vector<16xi32>
      %swap3A_377 = vector.shape_cast %get3A_373 : vector<16xi32> to vector<16xi32>
      tpu.vector_store %arg6[%swap3A_374], %swap3A_377 {strides = array<i32>} : memref<896xi32, #tpu.memory_space<vmem>>, vector<16xi32>,
      %get3A_378 = arith.constant 1448 : index
      %get3A_379 = tpu.vector_load %arg5[%get3A_378] {strides = array<i32>} : memref<2048xi32, #tpu.memory_space<vmem>>, vector<16xi32>,
      %get3A_380 = vector.shape_cast %get3A_379 : vector<16xi32> to vector<16xi32>
      %swap3A_381 = arith.constant 656 : index
      %swap3A_382 = tpu.vector_load %arg6[%swap3A_381] {strides = array<i32>} : memref<896xi32, #tpu.memory_space<vmem>>, vector<16xi32>,
      %swap3A_383 = vector.shape_cast %swap3A_382 : vector<16xi32> to vector<16xi32>
      %swap3A_384 = vector.shape_cast %get3A_380 : vector<16xi32> to vector<16xi32>
      tpu.vector_store %arg6[%swap3A_381], %swap3A_384 {strides = array<i32>} : memref<896xi32, #tpu.memory_space<vmem>>, vector<16xi32>,
      %get3A_385 = arith.constant 1536 : index
      %get3A_386 = tpu.vector_load %arg5[%get3A_385] {strides = array<i32>} : memref<2048xi32, #tpu.memory_space<vmem>>, vector<16xi32>,
      %get3A_387 = vector.shape_cast %get3A_386 : vector<16xi32> to vector<16xi32>
      %swap3A_388 = arith.constant 672 : index
      %swap3A_389 = tpu.vector_load %arg6[%swap3A_388] {strides = array<i32>} : memref<896xi32, #tpu.memory_space<vmem>>, vector<16xi32>,
      %swap3A_390 = vector.shape_cast %swap3A_389 : vector<16xi32> to vector<16xi32>
      %swap3A_391 = vector.shape_cast %get3A_387 : vector<16xi32> to vector<16xi32>
      tpu.vector_store %arg6[%swap3A_388], %swap3A_391 {strides = array<i32>} : memref<896xi32, #tpu.memory_space<vmem>>, vector<16xi32>,
      %get3A_392 = arith.constant 1552 : index
      %get3A_393 = tpu.vector_load %arg5[%get3A_392] {strides = array<i32>} : memref<2048xi32, #tpu.memory_space<vmem>>, vector<16xi32>,
      %get3A_394 = vector.shape_cast %get3A_393 : vector<16xi32> to vector<16xi32>
      %swap3A_395 = arith.constant 688 : index
      %swap3A_396 = tpu.vector_load %arg6[%swap3A_395] {strides = array<i32>} : memref<896xi32, #tpu.memory_space<vmem>>, vector<16xi32>,
      %swap3A_397 = vector.shape_cast %swap3A_396 : vector<16xi32> to vector<16xi32>
      %swap3A_398 = vector.shape_cast %get3A_394 : vector<16xi32> to vector<16xi32>
      tpu.vector_store %arg6[%swap3A_395], %swap3A_398 {strides = array<i32>} : memref<896xi32, #tpu.memory_space<vmem>>, vector<16xi32>,
      %get3A_399 = arith.constant 1568 : index
      %get3A_400 = tpu.vector_load %arg5[%get3A_399] {strides = array<i32>} : memref<2048xi32, #tpu.memory_space<vmem>>, vector<16xi32>,
      %get3A_401 = vector.shape_cast %get3A_400 : vector<16xi32> to vector<16xi32>
      %swap3A_402 = arith.constant 704 : index
      %swap3A_403 = tpu.vector_load %arg6[%swap3A_402] {strides = array<i32>} : memref<896xi32, #tpu.memory_space<vmem>>, vector<16xi32>,
      %swap3A_404 = vector.shape_cast %swap3A_403 : vector<16xi32> to vector<16xi32>
      %swap3A_405 = vector.shape_cast %get3A_401 : vector<16xi32> to vector<16xi32>
      tpu.vector_store %arg6[%swap3A_402], %swap3A_405 {strides = array<i32>} : memref<896xi32, #tpu.memory_space<vmem>>, vector<16xi32>,
      %get3A_406 = arith.constant 1576 : index
      %get3A_407 = tpu.vector_load %arg5[%get3A_406] {strides = array<i32>} : memref<2048xi32, #tpu.memory_space<vmem>>, vector<16xi32>,
      %get3A_408 = vector.shape_cast %get3A_407 : vector<16xi32> to vector<16xi32>
      %swap3A_409 = arith.constant 712 : index
      %swap3A_410 = tpu.vector_load %arg6[%swap3A_409] {strides = array<i32>} : memref<896xi32, #tpu.memory_space<vmem>>, vector<16xi32>,
      %swap3A_411 = vector.shape_cast %swap3A_410 : vector<16xi32> to vector<16xi32>
      %swap3A_412 = vector.shape_cast %get3A_408 : vector<16xi32> to vector<16xi32>
      tpu.vector_store %arg6[%swap3A_409], %swap3A_412 {strides = array<i32>} : memref<896xi32, #tpu.memory_space<vmem>>, vector<16xi32>,
      %get3A_413 = arith.constant 1664 : index
      %get3A_414 = tpu.vector_load %arg5[%get3A_413] {strides = array<i32>} : memref<2048xi32, #tpu.memory_space<vmem>>, vector<16xi32>,
      %get3A_415 = vector.shape_cast %get3A_414 : vector<16xi32> to vector<16xi32>
      %swap3A_416 = arith.constant 728 : index
      %swap3A_417 = tpu.vector_load %arg6[%swap3A_416] {strides = array<i32>} : memref<896xi32, #tpu.memory_space<vmem>>, vector<16xi32>,
      %swap3A_418 = vector.shape_cast %swap3A_417 : vector<16xi32> to vector<16xi32>
      %swap3A_419 = vector.shape_cast %get3A_415 : vector<16xi32> to vector<16xi32>
      tpu.vector_store %arg6[%swap3A_416], %swap3A_419 {strides = array<i32>} : memref<896xi32, #tpu.memory_space<vmem>>, vector<16xi32>,
      %get3A_420 = arith.constant 1680 : index
      %get3A_421 = tpu.vector_load %arg5[%get3A_420] {strides = array<i32>} : memref<2048xi32, #tpu.memory_space<vmem>>, vector<16xi32>,
      %get3A_422 = vector.shape_cast %get3A_421 : vector<16xi32> to vector<16xi32>
      %swap3A_423 = arith.constant 744 : index
      %swap3A_424 = tpu.vector_load %arg6[%swap3A_423] {strides = array<i32>} : memref<896xi32, #tpu.memory_space<vmem>>, vector<16xi32>,
      %swap3A_425 = vector.shape_cast %swap3A_424 : vector<16xi32> to vector<16xi32>
      %swap3A_426 = vector.shape_cast %get3A_422 : vector<16xi32> to vector<16xi32>
      tpu.vector_store %arg6[%swap3A_423], %swap3A_426 {strides = array<i32>} : memref<896xi32, #tpu.memory_space<vmem>>, vector<16xi32>,
      %get3A_427 = arith.constant 1696 : index
      %get3A_428 = tpu.vector_load %arg5[%get3A_427] {strides = array<i32>} : memref<2048xi32, #tpu.memory_space<vmem>>, vector<16xi32>,
      %get3A_429 = vector.shape_cast %get3A_428 : vector<16xi32> to vector<16xi32>
      %swap3A_430 = arith.constant 760 : index
      %swap3A_431 = tpu.vector_load %arg6[%swap3A_430] {strides = array<i32>} : memref<896xi32, #tpu.memory_space<vmem>>, vector<16xi32>,
      %swap3A_432 = vector.shape_cast %swap3A_431 : vector<16xi32> to vector<16xi32>
      %swap3A_433 = vector.shape_cast %get3A_429 : vector<16xi32> to vector<16xi32>
      tpu.vector_store %arg6[%swap3A_430], %swap3A_433 {strides = array<i32>} : memref<896xi32, #tpu.memory_space<vmem>>, vector<16xi32>,
      %get3A_434 = arith.constant 1704 : index
      %get3A_435 = tpu.vector_load %arg5[%get3A_434] {strides = array<i32>} : memref<2048xi32, #tpu.memory_space<vmem>>, vector<16xi32>,
      %get3A_436 = vector.shape_cast %get3A_435 : vector<16xi32> to vector<16xi32>
      %swap3A_437 = arith.constant 768 : index
      %swap3A_438 = tpu.vector_load %arg6[%swap3A_437] {strides = array<i32>} : memref<896xi32, #tpu.memory_space<vmem>>, vector<16xi32>,
      %swap3A_439 = vector.shape_cast %swap3A_438 : vector<16xi32> to vector<16xi32>
      %swap3A_440 = vector.shape_cast %get3A_436 : vector<16xi32> to vector<16xi32>
      tpu.vector_store %arg6[%swap3A_437], %swap3A_440 {strides = array<i32>} : memref<896xi32, #tpu.memory_space<vmem>>, vector<16xi32>,
      %get3A_441 = arith.constant 1792 : index
      %get3A_442 = tpu.vector_load %arg5[%get3A_441] {strides = array<i32>} : memref<2048xi32, #tpu.memory_space<vmem>>, vector<16xi32>,
      %get3A_443 = vector.shape_cast %get3A_442 : vector<16xi32> to vector<16xi32>
      %swap3A_444 = arith.constant 784 : index
      %swap3A_445 = tpu.vector_load %arg6[%swap3A_444] {strides = array<i32>} : memref<896xi32, #tpu.memory_space<vmem>>, vector<16xi32>,
      %swap3A_446 = vector.shape_cast %swap3A_445 : vector<16xi32> to vector<16xi32>
      %swap3A_447 = vector.shape_cast %get3A_443 : vector<16xi32> to vector<16xi32>
      tpu.vector_store %arg6[%swap3A_444], %swap3A_447 {strides = array<i32>} : memref<896xi32, #tpu.memory_space<vmem>>, vector<16xi32>,
      %get3A_448 = arith.constant 1808 : index
      %get3A_449 = tpu.vector_load %arg5[%get3A_448] {strides = array<i32>} : memref<2048xi32, #tpu.memory_space<vmem>>, vector<16xi32>,
      %get3A_450 = vector.shape_cast %get3A_449 : vector<16xi32> to vector<16xi32>
      %swap3A_451 = arith.constant 800 : index
      %swap3A_452 = tpu.vector_load %arg6[%swap3A_451] {strides = array<i32>} : memref<896xi32, #tpu.memory_space<vmem>>, vector<16xi32>,
      %swap3A_453 = vector.shape_cast %swap3A_452 : vector<16xi32> to vector<16xi32>
      %swap3A_454 = vector.shape_cast %get3A_450 : vector<16xi32> to vector<16xi32>
      tpu.vector_store %arg6[%swap3A_451], %swap3A_454 {strides = array<i32>} : memref<896xi32, #tpu.memory_space<vmem>>, vector<16xi32>,
      %get3A_455 = arith.constant 1824 : index
      %get3A_456 = tpu.vector_load %arg5[%get3A_455] {strides = array<i32>} : memref<2048xi32, #tpu.memory_space<vmem>>, vector<16xi32>,
      %get3A_457 = vector.shape_cast %get3A_456 : vector<16xi32> to vector<16xi32>
      %swap3A_458 = arith.constant 816 : index
      %swap3A_459 = tpu.vector_load %arg6[%swap3A_458] {strides = array<i32>} : memref<896xi32, #tpu.memory_space<vmem>>, vector<16xi32>,
      %swap3A_460 = vector.shape_cast %swap3A_459 : vector<16xi32> to vector<16xi32>
      %swap3A_461 = vector.shape_cast %get3A_457 : vector<16xi32> to vector<16xi32>
      tpu.vector_store %arg6[%swap3A_458], %swap3A_461 {strides = array<i32>} : memref<896xi32, #tpu.memory_space<vmem>>, vector<16xi32>,
      %get3A_462 = arith.constant 1832 : index
      %get3A_463 = tpu.vector_load %arg5[%get3A_462] {strides = array<i32>} : memref<2048xi32, #tpu.memory_space<vmem>>, vector<16xi32>,
      %get3A_464 = vector.shape_cast %get3A_463 : vector<16xi32> to vector<16xi32>
      %swap3A_465 = arith.constant 824 : index
      %swap3A_466 = tpu.vector_load %arg6[%swap3A_465] {strides = array<i32>} : memref<896xi32, #tpu.memory_space<vmem>>, vector<16xi32>,
      %swap3A_467 = vector.shape_cast %swap3A_466 : vector<16xi32> to vector<16xi32>
      %swap3A_468 = vector.shape_cast %get3A_464 : vector<16xi32> to vector<16xi32>
      tpu.vector_store %arg6[%swap3A_465], %swap3A_468 {strides = array<i32>} : memref<896xi32, #tpu.memory_space<vmem>>, vector<16xi32>,
      %get3A_469 = arith.constant 1920 : index
      %get3A_470 = tpu.vector_load %arg5[%get3A_469] {strides = array<i32>} : memref<2048xi32, #tpu.memory_space<vmem>>, vector<16xi32>,
      %get3A_471 = vector.shape_cast %get3A_470 : vector<16xi32> to vector<16xi32>
      %swap3A_472 = arith.constant 840 : index
      %swap3A_473 = tpu.vector_load %arg6[%swap3A_472] {strides = array<i32>} : memref<896xi32, #tpu.memory_space<vmem>>, vector<16xi32>,
      %swap3A_474 = vector.shape_cast %swap3A_473 : vector<16xi32> to vector<16xi32>
      %swap3A_475 = vector.shape_cast %get3A_471 : vector<16xi32> to vector<16xi32>
      tpu.vector_store %arg6[%swap3A_472], %swap3A_475 {strides = array<i32>} : memref<896xi32, #tpu.memory_space<vmem>>, vector<16xi32>,
      %get3A_476 = arith.constant 1936 : index
      %get3A_477 = tpu.vector_load %arg5[%get3A_476] {strides = array<i32>} : memref<2048xi32, #tpu.memory_space<vmem>>, vector<16xi32>,
      %get3A_478 = vector.shape_cast %get3A_477 : vector<16xi32> to vector<16xi32>
      %swap3A_479 = arith.constant 856 : index
      %swap3A_480 = tpu.vector_load %arg6[%swap3A_479] {strides = array<i32>} : memref<896xi32, #tpu.memory_space<vmem>>, vector<16xi32>,
      %swap3A_481 = vector.shape_cast %swap3A_480 : vector<16xi32> to vector<16xi32>
      %swap3A_482 = vector.shape_cast %get3A_478 : vector<16xi32> to vector<16xi32>
      tpu.vector_store %arg6[%swap3A_479], %swap3A_482 {strides = array<i32>} : memref<896xi32, #tpu.memory_space<vmem>>, vector<16xi32>,
      %get3A_483 = arith.constant 1952 : index
      %get3A_484 = tpu.vector_load %arg5[%get3A_483] {strides = array<i32>} : memref<2048xi32, #tpu.memory_space<vmem>>, vector<16xi32>,
      %get3A_485 = vector.shape_cast %get3A_484 : vector<16xi32> to vector<16xi32>
      %swap3A_486 = arith.constant 872 : index
      %swap3A_487 = tpu.vector_load %arg6[%swap3A_486] {strides = array<i32>} : memref<896xi32, #tpu.memory_space<vmem>>, vector<16xi32>,
      %swap3A_488 = vector.shape_cast %swap3A_487 : vector<16xi32> to vector<16xi32>
      %swap3A_489 = vector.shape_cast %get3A_485 : vector<16xi32> to vector<16xi32>
      tpu.vector_store %arg6[%swap3A_486], %swap3A_489 {strides = array<i32>} : memref<896xi32, #tpu.memory_space<vmem>>, vector<16xi32>,
      %get3A_490 = arith.constant 1960 : index
      %get3A_491 = tpu.vector_load %arg5[%get3A_490] {strides = array<i32>} : memref<2048xi32, #tpu.memory_space<vmem>>, vector<16xi32>,
      %get3A_492 = vector.shape_cast %get3A_491 : vector<16xi32> to vector<16xi32>
      %swap3A_493 = arith.constant 880 : index
      %swap3A_494 = tpu.vector_load %arg6[%swap3A_493] {strides = array<i32>} : memref<896xi32, #tpu.memory_space<vmem>>, vector<16xi32>,
      %swap3A_495 = vector.shape_cast %swap3A_494 : vector<16xi32> to vector<16xi32>
      %swap3A_496 = vector.shape_cast %get3A_492 : vector<16xi32> to vector<16xi32>
      tpu.vector_store %arg6[%swap3A_493], %swap3A_496 {strides = array<i32>} : memref<896xi32, #tpu.memory_space<vmem>>, vector<16xi32>,
      %gt3A = arith.constant 0 : i32
      %gt3A_497 = arith.cmpi sgt, %scan3A_43, %gt3A : i32
      %convert_element_type3A_498 = arith.extui %gt3A_497 : i1 to i32
      %cond3A_499 = arith.constant 0 : i32
      %cond3A_500 = arith.cmpi ne, %convert_element_type3A_498, %cond3A_499 : i32
      scf.if %cond3A_500 {
        %sub3A = arith.constant 16 : i32
        %sub3A_857 = arith.subi %add3A_48, %sub3A : i32
        %add3A_858 = arith.constant 0 : i32
        %add3A_859 = arith.addi %sub3A_857, %add3A_858 : i32
        %dma_wait3A_860 = arith.constant 0 : i32
        %dma_wait3A_861 = arith.constant 0 : i32
        %dma_wait3A_862 = arith.constant 0 : i32
        %dma_wait3A_863 = tpu.memref_slice %arg7[%dma_wait3A_860, %dma_wait3A_861, %dma_wait3A_862] : memref<16x50x128xf32, #tpu.memory_space<vmem>> -> memref<8x50x128xf32, #tpu.memory_space<vmem>>
        %dma_wait3A_864 = arith.constant 0 : i32
        %dma_wait3A_865 = arith.constant 0 : i32
        %dma_wait3A_866 = tpu.memref_slice %arg4[%add3A_859, %dma_wait3A_864, %dma_wait3A_865] : memref<16384x50x128xf32, #tpu.memory_space<hbm>> -> memref<8x50x128xf32, #tpu.memory_space<hbm>>
        %dma_wait3A_867 = arith.constant 0 : i32
        %dma_wait3A_868 = arith.constant 0 : i32
        %dma_wait3A_869 = tpu.memref_slice %arg4[%add3A_859, %dma_wait3A_867, %dma_wait3A_868] : memref<16384x50x128xf32, #tpu.memory_space<hbm>> -> memref<8x50x128xf32, #tpu.memory_space<hbm>>
        %dma_wait3A_870 = arith.constant 0 : i32
        %dma_wait3A_871 = arith.constant 0 : i32
        %dma_wait3A_872 = arith.constant 0 : i32
        %dma_wait3A_873 = tpu.memref_slice %arg7[%dma_wait3A_870, %dma_wait3A_871, %dma_wait3A_872] : memref<16x50x128xf32, #tpu.memory_space<vmem>> -> memref<8x50x128xf32, #tpu.memory_space<vmem>>
        tpu.wait_dma2 semaphore(%arg11 : memref<!tpu.dma_semaphore, #tpu.memory_space<semaphore_mem>>) src(%dma_wait3A_873 : memref<8x50x128xf32, #tpu.memory_space<vmem>>) dst(%dma_wait3A_869 : memref<8x50x128xf32, #tpu.memory_space<hbm>>)
      } else {
      }
      %dma_start3A = arith.constant 0 : i32
      %dma_start3A_501 = arith.constant 0 : i32
      %dma_start3A_502 = arith.constant 0 : i32
      %dma_start3A_503 = tpu.memref_slice %arg7[%dma_start3A, %dma_start3A_501, %dma_start3A_502] : memref<16x50x128xf32, #tpu.memory_space<vmem>> -> memref<1x50x128xf32, #tpu.memory_space<vmem>>
      %dma_start3A_504 = tpu.memref_squeeze %dma_start3A_503 : memref<1x50x128xf32, #tpu.memory_space<vmem>> -> memref<50x128xf32, #tpu.memory_space<vmem>>
      %dma_start3A_505 = arith.constant 0 : i32
      %dma_start3A_506 = tpu.memref_slice %arg6[%dma_start3A_505] : memref<896xi32, #tpu.memory_space<vmem>> -> memref<50xi32, #tpu.memory_space<vmem>>
      %dma_start3A_507 = arith.constant 0 : i32
      %dma_start3A_508 = arith.constant 0 : i32
      %dma_start3A_509 = tpu.memref_slice %arg8[%dma_start3A_507, %dma_start3A_508] : memref<512x128xf32, #tpu.memory_space<vmem_shared>> -> memref<512x128xf32, #tpu.memory_space<vmem_shared>>
      tpu.enqueue_indirect_dma source(%dma_start3A_509 : memref<512x128xf32, #tpu.memory_space<vmem_shared>>) target(%dma_start3A_504 : memref<50x128xf32, #tpu.memory_space<vmem>>) offsets(%dma_start3A_506 : memref<50xi32, #tpu.memory_space<vmem>>) semaphore(%arg9 : memref<!tpu.dma_semaphore, #tpu.memory_space<semaphore_mem>>)
      %dma_start3A_510 = arith.constant 1 : i32
      %dma_start3A_511 = arith.constant 0 : i32
      %dma_start3A_512 = arith.constant 0 : i32
      %dma_start3A_513 = tpu.memref_slice %arg7[%dma_start3A_510, %dma_start3A_511, %dma_start3A_512] : memref<16x50x128xf32, #tpu.memory_space<vmem>> -> memref<1x50x128xf32, #tpu.memory_space<vmem>>
      %dma_start3A_514 = tpu.memref_squeeze %dma_start3A_513 : memref<1x50x128xf32, #tpu.memory_space<vmem>> -> memref<50x128xf32, #tpu.memory_space<vmem>>
      %dma_start3A_515 = arith.constant 56 : i32
      %dma_start3A_516 = tpu.memref_slice %arg6[%dma_start3A_515] : memref<896xi32, #tpu.memory_space<vmem>> -> memref<50xi32, #tpu.memory_space<vmem>>
      %dma_start3A_517 = arith.constant 0 : i32
      %dma_start3A_518 = arith.constant 0 : i32
      %dma_start3A_519 = tpu.memref_slice %arg8[%dma_start3A_517, %dma_start3A_518] : memref<512x128xf32, #tpu.memory_space<vmem_shared>> -> memref<512x128xf32, #tpu.memory_space<vmem_shared>>
      tpu.enqueue_indirect_dma source(%dma_start3A_519 : memref<512x128xf32, #tpu.memory_space<vmem_shared>>) target(%dma_start3A_514 : memref<50x128xf32, #tpu.memory_space<vmem>>) offsets(%dma_start3A_516 : memref<50xi32, #tpu.memory_space<vmem>>) semaphore(%arg9 : memref<!tpu.dma_semaphore, #tpu.memory_space<semaphore_mem>>)
      %dma_start3A_520 = arith.constant 2 : i32
      %dma_start3A_521 = arith.constant 0 : i32
      %dma_start3A_522 = arith.constant 0 : i32
      %dma_start3A_523 = tpu.memref_slice %arg7[%dma_start3A_520, %dma_start3A_521, %dma_start3A_522] : memref<16x50x128xf32, #tpu.memory_space<vmem>> -> memref<1x50x128xf32, #tpu.memory_space<vmem>>
      %dma_start3A_524 = tpu.memref_squeeze %dma_start3A_523 : memref<1x50x128xf32, #tpu.memory_space<vmem>> -> memref<50x128xf32, #tpu.memory_space<vmem>>
      %dma_start3A_525 = arith.constant 112 : i32
      %dma_start3A_526 = tpu.memref_slice %arg6[%dma_start3A_525] : memref<896xi32, #tpu.memory_space<vmem>> -> memref<50xi32, #tpu.memory_space<vmem>>
      %dma_start3A_527 = arith.constant 0 : i32
      %dma_start3A_528 = arith.constant 0 : i32
      %dma_start3A_529 = tpu.memref_slice %arg8[%dma_start3A_527, %dma_start3A_528] : memref<512x128xf32, #tpu.memory_space<vmem_shared>> -> memref<512x128xf32, #tpu.memory_space<vmem_shared>>
      tpu.enqueue_indirect_dma source(%dma_start3A_529 : memref<512x128xf32, #tpu.memory_space<vmem_shared>>) target(%dma_start3A_524 : memref<50x128xf32, #tpu.memory_space<vmem>>) offsets(%dma_start3A_526 : memref<50xi32, #tpu.memory_space<vmem>>) semaphore(%arg9 : memref<!tpu.dma_semaphore, #tpu.memory_space<semaphore_mem>>)
      %dma_start3A_530 = arith.constant 3 : i32
      %dma_start3A_531 = arith.constant 0 : i32
      %dma_start3A_532 = arith.constant 0 : i32
      %dma_start3A_533 = tpu.memref_slice %arg7[%dma_start3A_530, %dma_start3A_531, %dma_start3A_532] : memref<16x50x128xf32, #tpu.memory_space<vmem>> -> memref<1x50x128xf32, #tpu.memory_space<vmem>>
      %dma_start3A_534 = tpu.memref_squeeze %dma_start3A_533 : memref<1x50x128xf32, #tpu.memory_space<vmem>> -> memref<50x128xf32, #tpu.memory_space<vmem>>
      %dma_start3A_535 = arith.constant 168 : i32
      %dma_start3A_536 = tpu.memref_slice %arg6[%dma_start3A_535] : memref<896xi32, #tpu.memory_space<vmem>> -> memref<50xi32, #tpu.memory_space<vmem>>
      %dma_start3A_537 = arith.constant 0 : i32
      %dma_start3A_538 = arith.constant 0 : i32
      %dma_start3A_539 = tpu.memref_slice %arg8[%dma_start3A_537, %dma_start3A_538] : memref<512x128xf32, #tpu.memory_space<vmem_shared>> -> memref<512x128xf32, #tpu.memory_space<vmem_shared>>
      tpu.enqueue_indirect_dma source(%dma_start3A_539 : memref<512x128xf32, #tpu.memory_space<vmem_shared>>) target(%dma_start3A_534 : memref<50x128xf32, #tpu.memory_space<vmem>>) offsets(%dma_start3A_536 : memref<50xi32, #tpu.memory_space<vmem>>) semaphore(%arg9 : memref<!tpu.dma_semaphore, #tpu.memory_space<semaphore_mem>>)
      %dma_start3A_540 = arith.constant 4 : i32
      %dma_start3A_541 = arith.constant 0 : i32
      %dma_start3A_542 = arith.constant 0 : i32
      %dma_start3A_543 = tpu.memref_slice %arg7[%dma_start3A_540, %dma_start3A_541, %dma_start3A_542] : memref<16x50x128xf32, #tpu.memory_space<vmem>> -> memref<1x50x128xf32, #tpu.memory_space<vmem>>
      %dma_start3A_544 = tpu.memref_squeeze %dma_start3A_543 : memref<1x50x128xf32, #tpu.memory_space<vmem>> -> memref<50x128xf32, #tpu.memory_space<vmem>>
      %dma_start3A_545 = arith.constant 224 : i32
      %dma_start3A_546 = tpu.memref_slice %arg6[%dma_start3A_545] : memref<896xi32, #tpu.memory_space<vmem>> -> memref<50xi32, #tpu.memory_space<vmem>>
      %dma_start3A_547 = arith.constant 0 : i32
      %dma_start3A_548 = arith.constant 0 : i32
      %dma_start3A_549 = tpu.memref_slice %arg8[%dma_start3A_547, %dma_start3A_548] : memref<512x128xf32, #tpu.memory_space<vmem_shared>> -> memref<512x128xf32, #tpu.memory_space<vmem_shared>>
      tpu.enqueue_indirect_dma source(%dma_start3A_549 : memref<512x128xf32, #tpu.memory_space<vmem_shared>>) target(%dma_start3A_544 : memref<50x128xf32, #tpu.memory_space<vmem>>) offsets(%dma_start3A_546 : memref<50xi32, #tpu.memory_space<vmem>>) semaphore(%arg9 : memref<!tpu.dma_semaphore, #tpu.memory_space<semaphore_mem>>)
      %dma_start3A_550 = arith.constant 5 : i32
      %dma_start3A_551 = arith.constant 0 : i32
      %dma_start3A_552 = arith.constant 0 : i32
      %dma_start3A_553 = tpu.memref_slice %arg7[%dma_start3A_550, %dma_start3A_551, %dma_start3A_552] : memref<16x50x128xf32, #tpu.memory_space<vmem>> -> memref<1x50x128xf32, #tpu.memory_space<vmem>>
      %dma_start3A_554 = tpu.memref_squeeze %dma_start3A_553 : memref<1x50x128xf32, #tpu.memory_space<vmem>> -> memref<50x128xf32, #tpu.memory_space<vmem>>
      %dma_start3A_555 = arith.constant 280 : i32
      %dma_start3A_556 = tpu.memref_slice %arg6[%dma_start3A_555] : memref<896xi32, #tpu.memory_space<vmem>> -> memref<50xi32, #tpu.memory_space<vmem>>
      %dma_start3A_557 = arith.constant 0 : i32
      %dma_start3A_558 = arith.constant 0 : i32
      %dma_start3A_559 = tpu.memref_slice %arg8[%dma_start3A_557, %dma_start3A_558] : memref<512x128xf32, #tpu.memory_space<vmem_shared>> -> memref<512x128xf32, #tpu.memory_space<vmem_shared>>
      tpu.enqueue_indirect_dma source(%dma_start3A_559 : memref<512x128xf32, #tpu.memory_space<vmem_shared>>) target(%dma_start3A_554 : memref<50x128xf32, #tpu.memory_space<vmem>>) offsets(%dma_start3A_556 : memref<50xi32, #tpu.memory_space<vmem>>) semaphore(%arg9 : memref<!tpu.dma_semaphore, #tpu.memory_space<semaphore_mem>>)
      %dma_start3A_560 = arith.constant 6 : i32
      %dma_start3A_561 = arith.constant 0 : i32
      %dma_start3A_562 = arith.constant 0 : i32
      %dma_start3A_563 = tpu.memref_slice %arg7[%dma_start3A_560, %dma_start3A_561, %dma_start3A_562] : memref<16x50x128xf32, #tpu.memory_space<vmem>> -> memref<1x50x128xf32, #tpu.memory_space<vmem>>
      %dma_start3A_564 = tpu.memref_squeeze %dma_start3A_563 : memref<1x50x128xf32, #tpu.memory_space<vmem>> -> memref<50x128xf32, #tpu.memory_space<vmem>>
      %dma_start3A_565 = arith.constant 336 : i32
      %dma_start3A_566 = tpu.memref_slice %arg6[%dma_start3A_565] : memref<896xi32, #tpu.memory_space<vmem>> -> memref<50xi32, #tpu.memory_space<vmem>>
      %dma_start3A_567 = arith.constant 0 : i32
      %dma_start3A_568 = arith.constant 0 : i32
      %dma_start3A_569 = tpu.memref_slice %arg8[%dma_start3A_567, %dma_start3A_568] : memref<512x128xf32, #tpu.memory_space<vmem_shared>> -> memref<512x128xf32, #tpu.memory_space<vmem_shared>>
      tpu.enqueue_indirect_dma source(%dma_start3A_569 : memref<512x128xf32, #tpu.memory_space<vmem_shared>>) target(%dma_start3A_564 : memref<50x128xf32, #tpu.memory_space<vmem>>) offsets(%dma_start3A_566 : memref<50xi32, #tpu.memory_space<vmem>>) semaphore(%arg9 : memref<!tpu.dma_semaphore, #tpu.memory_space<semaphore_mem>>)
      %dma_start3A_570 = arith.constant 7 : i32
      %dma_start3A_571 = arith.constant 0 : i32
      %dma_start3A_572 = arith.constant 0 : i32
      %dma_start3A_573 = tpu.memref_slice %arg7[%dma_start3A_570, %dma_start3A_571, %dma_start3A_572] : memref<16x50x128xf32, #tpu.memory_space<vmem>> -> memref<1x50x128xf32, #tpu.memory_space<vmem>>
      %dma_start3A_574 = tpu.memref_squeeze %dma_start3A_573 : memref<1x50x128xf32, #tpu.memory_space<vmem>> -> memref<50x128xf32, #tpu.memory_space<vmem>>
      %dma_start3A_575 = arith.constant 392 : i32
      %dma_start3A_576 = tpu.memref_slice %arg6[%dma_start3A_575] : memref<896xi32, #tpu.memory_space<vmem>> -> memref<50xi32, #tpu.memory_space<vmem>>
      %dma_start3A_577 = arith.constant 0 : i32
      %dma_start3A_578 = arith.constant 0 : i32
      %dma_start3A_579 = tpu.memref_slice %arg8[%dma_start3A_577, %dma_start3A_578] : memref<512x128xf32, #tpu.memory_space<vmem_shared>> -> memref<512x128xf32, #tpu.memory_space<vmem_shared>>
      tpu.enqueue_indirect_dma source(%dma_start3A_579 : memref<512x128xf32, #tpu.memory_space<vmem_shared>>) target(%dma_start3A_574 : memref<50x128xf32, #tpu.memory_space<vmem>>) offsets(%dma_start3A_576 : memref<50xi32, #tpu.memory_space<vmem>>) semaphore(%arg9 : memref<!tpu.dma_semaphore, #tpu.memory_space<semaphore_mem>>)
      %gt3A_580 = arith.constant 0 : i32
      %gt3A_581 = arith.cmpi sgt, %scan3A_43, %gt3A_580 : i32
      %convert_element_type3A_582 = arith.extui %gt3A_581 : i1 to i32
      %cond3A_583 = arith.constant 0 : i32
      %cond3A_584 = arith.cmpi ne, %convert_element_type3A_582, %cond3A_583 : i32
      scf.if %cond3A_584 {
        %sub3A = arith.constant 16 : i32
        %sub3A_857 = arith.subi %add3A_48, %sub3A : i32
        %add3A_858 = arith.constant 8 : i32
        %add3A_859 = arith.addi %sub3A_857, %add3A_858 : i32
        %dma_wait3A_860 = arith.constant 8 : i32
        %dma_wait3A_861 = arith.constant 0 : i32
        %dma_wait3A_862 = arith.constant 0 : i32
        %dma_wait3A_863 = tpu.memref_slice %arg7[%dma_wait3A_860, %dma_wait3A_861, %dma_wait3A_862] : memref<16x50x128xf32, #tpu.memory_space<vmem>> -> memref<8x50x128xf32, #tpu.memory_space<vmem>>
        %dma_wait3A_864 = arith.constant 0 : i32
        %dma_wait3A_865 = arith.constant 0 : i32
        %dma_wait3A_866 = tpu.memref_slice %arg4[%add3A_859, %dma_wait3A_864, %dma_wait3A_865] : memref<16384x50x128xf32, #tpu.memory_space<hbm>> -> memref<8x50x128xf32, #tpu.memory_space<hbm>>
        %dma_wait3A_867 = arith.constant 0 : i32
        %dma_wait3A_868 = arith.constant 0 : i32
        %dma_wait3A_869 = tpu.memref_slice %arg4[%add3A_859, %dma_wait3A_867, %dma_wait3A_868] : memref<16384x50x128xf32, #tpu.memory_space<hbm>> -> memref<8x50x128xf32, #tpu.memory_space<hbm>>
        %dma_wait3A_870 = arith.constant 8 : i32
        %dma_wait3A_871 = arith.constant 0 : i32
        %dma_wait3A_872 = arith.constant 0 : i32
        %dma_wait3A_873 = tpu.memref_slice %arg7[%dma_wait3A_870, %dma_wait3A_871, %dma_wait3A_872] : memref<16x50x128xf32, #tpu.memory_space<vmem>> -> memref<8x50x128xf32, #tpu.memory_space<vmem>>
        tpu.wait_dma2 semaphore(%arg12 : memref<!tpu.dma_semaphore, #tpu.memory_space<semaphore_mem>>) src(%dma_wait3A_873 : memref<8x50x128xf32, #tpu.memory_space<vmem>>) dst(%dma_wait3A_869 : memref<8x50x128xf32, #tpu.memory_space<hbm>>)
      } else {
      }
      %dma_start3A_585 = arith.constant 8 : i32
      %dma_start3A_586 = arith.constant 0 : i32
      %dma_start3A_587 = arith.constant 0 : i32
      %dma_start3A_588 = tpu.memref_slice %arg7[%dma_start3A_585, %dma_start3A_586, %dma_start3A_587] : memref<16x50x128xf32, #tpu.memory_space<vmem>> -> memref<1x50x128xf32, #tpu.memory_space<vmem>>
      %dma_start3A_589 = tpu.memref_squeeze %dma_start3A_588 : memref<1x50x128xf32, #tpu.memory_space<vmem>> -> memref<50x128xf32, #tpu.memory_space<vmem>>
      %dma_start3A_590 = arith.constant 448 : i32
      %dma_start3A_591 = tpu.memref_slice %arg6[%dma_start3A_590] : memref<896xi32, #tpu.memory_space<vmem>> -> memref<50xi32, #tpu.memory_space<vmem>>
      %dma_start3A_592 = arith.constant 0 : i32
      %dma_start3A_593 = arith.constant 0 : i32
      %dma_start3A_594 = tpu.memref_slice %arg8[%dma_start3A_592, %dma_start3A_593] : memref<512x128xf32, #tpu.memory_space<vmem_shared>> -> memref<512x128xf32, #tpu.memory_space<vmem_shared>>
      tpu.enqueue_indirect_dma source(%dma_start3A_594 : memref<512x128xf32, #tpu.memory_space<vmem_shared>>) target(%dma_start3A_589 : memref<50x128xf32, #tpu.memory_space<vmem>>) offsets(%dma_start3A_591 : memref<50xi32, #tpu.memory_space<vmem>>) semaphore(%arg10 : memref<!tpu.dma_semaphore, #tpu.memory_space<semaphore_mem>>)
      %dma_start3A_595 = arith.constant 9 : i32
      %dma_start3A_596 = arith.constant 0 : i32
      %dma_start3A_597 = arith.constant 0 : i32
      %dma_start3A_598 = tpu.memref_slice %arg7[%dma_start3A_595, %dma_start3A_596, %dma_start3A_597] : memref<16x50x128xf32, #tpu.memory_space<vmem>> -> memref<1x50x128xf32, #tpu.memory_space<vmem>>
      %dma_start3A_599 = tpu.memref_squeeze %dma_start3A_598 : memref<1x50x128xf32, #tpu.memory_space<vmem>> -> memref<50x128xf32, #tpu.memory_space<vmem>>
      %dma_start3A_600 = arith.constant 504 : i32
      %dma_start3A_601 = tpu.memref_slice %arg6[%dma_start3A_600] : memref<896xi32, #tpu.memory_space<vmem>> -> memref<50xi32, #tpu.memory_space<vmem>>
      %dma_start3A_602 = arith.constant 0 : i32
      %dma_start3A_603 = arith.constant 0 : i32
      %dma_start3A_604 = tpu.memref_slice %arg8[%dma_start3A_602, %dma_start3A_603] : memref<512x128xf32, #tpu.memory_space<vmem_shared>> -> memref<512x128xf32, #tpu.memory_space<vmem_shared>>
      tpu.enqueue_indirect_dma source(%dma_start3A_604 : memref<512x128xf32, #tpu.memory_space<vmem_shared>>) target(%dma_start3A_599 : memref<50x128xf32, #tpu.memory_space<vmem>>) offsets(%dma_start3A_601 : memref<50xi32, #tpu.memory_space<vmem>>) semaphore(%arg10 : memref<!tpu.dma_semaphore, #tpu.memory_space<semaphore_mem>>)
      %dma_start3A_605 = arith.constant 10 : i32
      %dma_start3A_606 = arith.constant 0 : i32
      %dma_start3A_607 = arith.constant 0 : i32
      %dma_start3A_608 = tpu.memref_slice %arg7[%dma_start3A_605, %dma_start3A_606, %dma_start3A_607] : memref<16x50x128xf32, #tpu.memory_space<vmem>> -> memref<1x50x128xf32, #tpu.memory_space<vmem>>
      %dma_start3A_609 = tpu.memref_squeeze %dma_start3A_608 : memref<1x50x128xf32, #tpu.memory_space<vmem>> -> memref<50x128xf32, #tpu.memory_space<vmem>>
      %dma_start3A_610 = arith.constant 560 : i32
      %dma_start3A_611 = tpu.memref_slice %arg6[%dma_start3A_610] : memref<896xi32, #tpu.memory_space<vmem>> -> memref<50xi32, #tpu.memory_space<vmem>>
      %dma_start3A_612 = arith.constant 0 : i32
      %dma_start3A_613 = arith.constant 0 : i32
      %dma_start3A_614 = tpu.memref_slice %arg8[%dma_start3A_612, %dma_start3A_613] : memref<512x128xf32, #tpu.memory_space<vmem_shared>> -> memref<512x128xf32, #tpu.memory_space<vmem_shared>>
      tpu.enqueue_indirect_dma source(%dma_start3A_614 : memref<512x128xf32, #tpu.memory_space<vmem_shared>>) target(%dma_start3A_609 : memref<50x128xf32, #tpu.memory_space<vmem>>) offsets(%dma_start3A_611 : memref<50xi32, #tpu.memory_space<vmem>>) semaphore(%arg10 : memref<!tpu.dma_semaphore, #tpu.memory_space<semaphore_mem>>)
      %dma_start3A_615 = arith.constant 11 : i32
      %dma_start3A_616 = arith.constant 0 : i32
      %dma_start3A_617 = arith.constant 0 : i32
      %dma_start3A_618 = tpu.memref_slice %arg7[%dma_start3A_615, %dma_start3A_616, %dma_start3A_617] : memref<16x50x128xf32, #tpu.memory_space<vmem>> -> memref<1x50x128xf32, #tpu.memory_space<vmem>>
      %dma_start3A_619 = tpu.memref_squeeze %dma_start3A_618 : memref<1x50x128xf32, #tpu.memory_space<vmem>> -> memref<50x128xf32, #tpu.memory_space<vmem>>
      %dma_start3A_620 = arith.constant 616 : i32
      %dma_start3A_621 = tpu.memref_slice %arg6[%dma_start3A_620] : memref<896xi32, #tpu.memory_space<vmem>> -> memref<50xi32, #tpu.memory_space<vmem>>
      %dma_start3A_622 = arith.constant 0 : i32
      %dma_start3A_623 = arith.constant 0 : i32
      %dma_start3A_624 = tpu.memref_slice %arg8[%dma_start3A_622, %dma_start3A_623] : memref<512x128xf32, #tpu.memory_space<vmem_shared>> -> memref<512x128xf32, #tpu.memory_space<vmem_shared>>
      tpu.enqueue_indirect_dma source(%dma_start3A_624 : memref<512x128xf32, #tpu.memory_space<vmem_shared>>) target(%dma_start3A_619 : memref<50x128xf32, #tpu.memory_space<vmem>>) offsets(%dma_start3A_621 : memref<50xi32, #tpu.memory_space<vmem>>) semaphore(%arg10 : memref<!tpu.dma_semaphore, #tpu.memory_space<semaphore_mem>>)
      %dma_start3A_625 = arith.constant 12 : i32
      %dma_start3A_626 = arith.constant 0 : i32
      %dma_start3A_627 = arith.constant 0 : i32
      %dma_start3A_628 = tpu.memref_slice %arg7[%dma_start3A_625, %dma_start3A_626, %dma_start3A_627] : memref<16x50x128xf32, #tpu.memory_space<vmem>> -> memref<1x50x128xf32, #tpu.memory_space<vmem>>
      %dma_start3A_629 = tpu.memref_squeeze %dma_start3A_628 : memref<1x50x128xf32, #tpu.memory_space<vmem>> -> memref<50x128xf32, #tpu.memory_space<vmem>>
      %dma_start3A_630 = arith.constant 672 : i32
      %dma_start3A_631 = tpu.memref_slice %arg6[%dma_start3A_630] : memref<896xi32, #tpu.memory_space<vmem>> -> memref<50xi32, #tpu.memory_space<vmem>>
      %dma_start3A_632 = arith.constant 0 : i32
      %dma_start3A_633 = arith.constant 0 : i32
      %dma_start3A_634 = tpu.memref_slice %arg8[%dma_start3A_632, %dma_start3A_633] : memref<512x128xf32, #tpu.memory_space<vmem_shared>> -> memref<512x128xf32, #tpu.memory_space<vmem_shared>>
      tpu.enqueue_indirect_dma source(%dma_start3A_634 : memref<512x128xf32, #tpu.memory_space<vmem_shared>>) target(%dma_start3A_629 : memref<50x128xf32, #tpu.memory_space<vmem>>) offsets(%dma_start3A_631 : memref<50xi32, #tpu.memory_space<vmem>>) semaphore(%arg10 : memref<!tpu.dma_semaphore, #tpu.memory_space<semaphore_mem>>)
      %dma_start3A_635 = arith.constant 13 : i32
      %dma_start3A_636 = arith.constant 0 : i32
      %dma_start3A_637 = arith.constant 0 : i32
      %dma_start3A_638 = tpu.memref_slice %arg7[%dma_start3A_635, %dma_start3A_636, %dma_start3A_637] : memref<16x50x128xf32, #tpu.memory_space<vmem>> -> memref<1x50x128xf32, #tpu.memory_space<vmem>>
      %dma_start3A_639 = tpu.memref_squeeze %dma_start3A_638 : memref<1x50x128xf32, #tpu.memory_space<vmem>> -> memref<50x128xf32, #tpu.memory_space<vmem>>
      %dma_start3A_640 = arith.constant 728 : i32
      %dma_start3A_641 = tpu.memref_slice %arg6[%dma_start3A_640] : memref<896xi32, #tpu.memory_space<vmem>> -> memref<50xi32, #tpu.memory_space<vmem>>
      %dma_start3A_642 = arith.constant 0 : i32
      %dma_start3A_643 = arith.constant 0 : i32
      %dma_start3A_644 = tpu.memref_slice %arg8[%dma_start3A_642, %dma_start3A_643] : memref<512x128xf32, #tpu.memory_space<vmem_shared>> -> memref<512x128xf32, #tpu.memory_space<vmem_shared>>
      tpu.enqueue_indirect_dma source(%dma_start3A_644 : memref<512x128xf32, #tpu.memory_space<vmem_shared>>) target(%dma_start3A_639 : memref<50x128xf32, #tpu.memory_space<vmem>>) offsets(%dma_start3A_641 : memref<50xi32, #tpu.memory_space<vmem>>) semaphore(%arg10 : memref<!tpu.dma_semaphore, #tpu.memory_space<semaphore_mem>>)
      %dma_start3A_645 = arith.constant 14 : i32
      %dma_start3A_646 = arith.constant 0 : i32
      %dma_start3A_647 = arith.constant 0 : i32
      %dma_start3A_648 = tpu.memref_slice %arg7[%dma_start3A_645, %dma_start3A_646, %dma_start3A_647] : memref<16x50x128xf32, #tpu.memory_space<vmem>> -> memref<1x50x128xf32, #tpu.memory_space<vmem>>
      %dma_start3A_649 = tpu.memref_squeeze %dma_start3A_648 : memref<1x50x128xf32, #tpu.memory_space<vmem>> -> memref<50x128xf32, #tpu.memory_space<vmem>>
      %dma_start3A_650 = arith.constant 784 : i32
      %dma_start3A_651 = tpu.memref_slice %arg6[%dma_start3A_650] : memref<896xi32, #tpu.memory_space<vmem>> -> memref<50xi32, #tpu.memory_space<vmem>>
      %dma_start3A_652 = arith.constant 0 : i32
      %dma_start3A_653 = arith.constant 0 : i32
      %dma_start3A_654 = tpu.memref_slice %arg8[%dma_start3A_652, %dma_start3A_653] : memref<512x128xf32, #tpu.memory_space<vmem_shared>> -> memref<512x128xf32, #tpu.memory_space<vmem_shared>>
      tpu.enqueue_indirect_dma source(%dma_start3A_654 : memref<512x128xf32, #tpu.memory_space<vmem_shared>>) target(%dma_start3A_649 : memref<50x128xf32, #tpu.memory_space<vmem>>) offsets(%dma_start3A_651 : memref<50xi32, #tpu.memory_space<vmem>>) semaphore(%arg10 : memref<!tpu.dma_semaphore, #tpu.memory_space<semaphore_mem>>)
      %dma_start3A_655 = arith.constant 15 : i32
      %dma_start3A_656 = arith.constant 0 : i32
      %dma_start3A_657 = arith.constant 0 : i32
      %dma_start3A_658 = tpu.memref_slice %arg7[%dma_start3A_655, %dma_start3A_656, %dma_start3A_657] : memref<16x50x128xf32, #tpu.memory_space<vmem>> -> memref<1x50x128xf32, #tpu.memory_space<vmem>>
      %dma_start3A_659 = tpu.memref_squeeze %dma_start3A_658 : memref<1x50x128xf32, #tpu.memory_space<vmem>> -> memref<50x128xf32, #tpu.memory_space<vmem>>
      %dma_start3A_660 = arith.constant 840 : i32
      %dma_start3A_661 = tpu.memref_slice %arg6[%dma_start3A_660] : memref<896xi32, #tpu.memory_space<vmem>> -> memref<50xi32, #tpu.memory_space<vmem>>
      %dma_start3A_662 = arith.constant 0 : i32
      %dma_start3A_663 = arith.constant 0 : i32
      %dma_start3A_664 = tpu.memref_slice %arg8[%dma_start3A_662, %dma_start3A_663] : memref<512x128xf32, #tpu.memory_space<vmem_shared>> -> memref<512x128xf32, #tpu.memory_space<vmem_shared>>
      tpu.enqueue_indirect_dma source(%dma_start3A_664 : memref<512x128xf32, #tpu.memory_space<vmem_shared>>) target(%dma_start3A_659 : memref<50x128xf32, #tpu.memory_space<vmem>>) offsets(%dma_start3A_661 : memref<50xi32, #tpu.memory_space<vmem>>) semaphore(%arg10 : memref<!tpu.dma_semaphore, #tpu.memory_space<semaphore_mem>>)
      %dma_wait3A_665 = arith.constant 0 : i32
      %dma_wait3A_666 = arith.constant 0 : i32
      %dma_wait3A_667 = arith.constant 0 : i32
      %dma_wait3A_668 = tpu.memref_slice %arg7[%dma_wait3A_665, %dma_wait3A_666, %dma_wait3A_667] : memref<16x50x128xf32, #tpu.memory_space<vmem>> -> memref<1x50x128xf32, #tpu.memory_space<vmem>>
      %dma_wait3A_669 = tpu.memref_squeeze %dma_wait3A_668 : memref<1x50x128xf32, #tpu.memory_space<vmem>> -> memref<50x128xf32, #tpu.memory_space<vmem>>
      %dma_wait3A_670 = arith.constant 0 : i32
      %dma_wait3A_671 = tpu.memref_slice %arg6[%dma_wait3A_670] : memref<896xi32, #tpu.memory_space<vmem>> -> memref<50xi32, #tpu.memory_space<vmem>>
      %dma_wait3A_672 = arith.constant 0 : i32
      %dma_wait3A_673 = arith.constant 0 : i32
      %dma_wait3A_674 = tpu.memref_slice %arg8[%dma_wait3A_672, %dma_wait3A_673] : memref<512x128xf32, #tpu.memory_space<vmem_shared>> -> memref<512x128xf32, #tpu.memory_space<vmem_shared>>
      tpu.wait_indirect_dma semaphore(%arg9 : memref<!tpu.dma_semaphore, #tpu.memory_space<semaphore_mem>>) src(%dma_wait3A_674 : memref<512x128xf32, #tpu.memory_space<vmem_shared>>) dst(%dma_wait3A_669 : memref<50x128xf32, #tpu.memory_space<vmem>>)
      %dma_wait3A_675 = arith.constant 1 : i32
      %dma_wait3A_676 = arith.constant 0 : i32
      %dma_wait3A_677 = arith.constant 0 : i32
      %dma_wait3A_678 = tpu.memref_slice %arg7[%dma_wait3A_675, %dma_wait3A_676, %dma_wait3A_677] : memref<16x50x128xf32, #tpu.memory_space<vmem>> -> memref<1x50x128xf32, #tpu.memory_space<vmem>>
      %dma_wait3A_679 = tpu.memref_squeeze %dma_wait3A_678 : memref<1x50x128xf32, #tpu.memory_space<vmem>> -> memref<50x128xf32, #tpu.memory_space<vmem>>
      %dma_wait3A_680 = arith.constant 56 : i32
      %dma_wait3A_681 = tpu.memref_slice %arg6[%dma_wait3A_680] : memref<896xi32, #tpu.memory_space<vmem>> -> memref<50xi32, #tpu.memory_space<vmem>>
      %dma_wait3A_682 = arith.constant 0 : i32
      %dma_wait3A_683 = arith.constant 0 : i32
      %dma_wait3A_684 = tpu.memref_slice %arg8[%dma_wait3A_682, %dma_wait3A_683] : memref<512x128xf32, #tpu.memory_space<vmem_shared>> -> memref<512x128xf32, #tpu.memory_space<vmem_shared>>
      tpu.wait_indirect_dma semaphore(%arg9 : memref<!tpu.dma_semaphore, #tpu.memory_space<semaphore_mem>>) src(%dma_wait3A_684 : memref<512x128xf32, #tpu.memory_space<vmem_shared>>) dst(%dma_wait3A_679 : memref<50x128xf32, #tpu.memory_space<vmem>>)
      %dma_wait3A_685 = arith.constant 2 : i32
      %dma_wait3A_686 = arith.constant 0 : i32
      %dma_wait3A_687 = arith.constant 0 : i32
      %dma_wait3A_688 = tpu.memref_slice %arg7[%dma_wait3A_685, %dma_wait3A_686, %dma_wait3A_687] : memref<16x50x128xf32, #tpu.memory_space<vmem>> -> memref<1x50x128xf32, #tpu.memory_space<vmem>>
      %dma_wait3A_689 = tpu.memref_squeeze %dma_wait3A_688 : memref<1x50x128xf32, #tpu.memory_space<vmem>> -> memref<50x128xf32, #tpu.memory_space<vmem>>
      %dma_wait3A_690 = arith.constant 112 : i32
      %dma_wait3A_691 = tpu.memref_slice %arg6[%dma_wait3A_690] : memref<896xi32, #tpu.memory_space<vmem>> -> memref<50xi32, #tpu.memory_space<vmem>>
      %dma_wait3A_692 = arith.constant 0 : i32
      %dma_wait3A_693 = arith.constant 0 : i32
      %dma_wait3A_694 = tpu.memref_slice %arg8[%dma_wait3A_692, %dma_wait3A_693] : memref<512x128xf32, #tpu.memory_space<vmem_shared>> -> memref<512x128xf32, #tpu.memory_space<vmem_shared>>
      tpu.wait_indirect_dma semaphore(%arg9 : memref<!tpu.dma_semaphore, #tpu.memory_space<semaphore_mem>>) src(%dma_wait3A_694 : memref<512x128xf32, #tpu.memory_space<vmem_shared>>) dst(%dma_wait3A_689 : memref<50x128xf32, #tpu.memory_space<vmem>>)
      %dma_wait3A_695 = arith.constant 3 : i32
      %dma_wait3A_696 = arith.constant 0 : i32
      %dma_wait3A_697 = arith.constant 0 : i32
      %dma_wait3A_698 = tpu.memref_slice %arg7[%dma_wait3A_695, %dma_wait3A_696, %dma_wait3A_697] : memref<16x50x128xf32, #tpu.memory_space<vmem>> -> memref<1x50x128xf32, #tpu.memory_space<vmem>>
      %dma_wait3A_699 = tpu.memref_squeeze %dma_wait3A_698 : memref<1x50x128xf32, #tpu.memory_space<vmem>> -> memref<50x128xf32, #tpu.memory_space<vmem>>
      %dma_wait3A_700 = arith.constant 168 : i32
      %dma_wait3A_701 = tpu.memref_slice %arg6[%dma_wait3A_700] : memref<896xi32, #tpu.memory_space<vmem>> -> memref<50xi32, #tpu.memory_space<vmem>>
      %dma_wait3A_702 = arith.constant 0 : i32
      %dma_wait3A_703 = arith.constant 0 : i32
      %dma_wait3A_704 = tpu.memref_slice %arg8[%dma_wait3A_702, %dma_wait3A_703] : memref<512x128xf32, #tpu.memory_space<vmem_shared>> -> memref<512x128xf32, #tpu.memory_space<vmem_shared>>
      tpu.wait_indirect_dma semaphore(%arg9 : memref<!tpu.dma_semaphore, #tpu.memory_space<semaphore_mem>>) src(%dma_wait3A_704 : memref<512x128xf32, #tpu.memory_space<vmem_shared>>) dst(%dma_wait3A_699 : memref<50x128xf32, #tpu.memory_space<vmem>>)
      %dma_wait3A_705 = arith.constant 4 : i32
      %dma_wait3A_706 = arith.constant 0 : i32
      %dma_wait3A_707 = arith.constant 0 : i32
      %dma_wait3A_708 = tpu.memref_slice %arg7[%dma_wait3A_705, %dma_wait3A_706, %dma_wait3A_707] : memref<16x50x128xf32, #tpu.memory_space<vmem>> -> memref<1x50x128xf32, #tpu.memory_space<vmem>>
      %dma_wait3A_709 = tpu.memref_squeeze %dma_wait3A_708 : memref<1x50x128xf32, #tpu.memory_space<vmem>> -> memref<50x128xf32, #tpu.memory_space<vmem>>
      %dma_wait3A_710 = arith.constant 224 : i32
      %dma_wait3A_711 = tpu.memref_slice %arg6[%dma_wait3A_710] : memref<896xi32, #tpu.memory_space<vmem>> -> memref<50xi32, #tpu.memory_space<vmem>>
      %dma_wait3A_712 = arith.constant 0 : i32
      %dma_wait3A_713 = arith.constant 0 : i32
      %dma_wait3A_714 = tpu.memref_slice %arg8[%dma_wait3A_712, %dma_wait3A_713] : memref<512x128xf32, #tpu.memory_space<vmem_shared>> -> memref<512x128xf32, #tpu.memory_space<vmem_shared>>
      tpu.wait_indirect_dma semaphore(%arg9 : memref<!tpu.dma_semaphore, #tpu.memory_space<semaphore_mem>>) src(%dma_wait3A_714 : memref<512x128xf32, #tpu.memory_space<vmem_shared>>) dst(%dma_wait3A_709 : memref<50x128xf32, #tpu.memory_space<vmem>>)
      %dma_wait3A_715 = arith.constant 5 : i32
      %dma_wait3A_716 = arith.constant 0 : i32
      %dma_wait3A_717 = arith.constant 0 : i32
      %dma_wait3A_718 = tpu.memref_slice %arg7[%dma_wait3A_715, %dma_wait3A_716, %dma_wait3A_717] : memref<16x50x128xf32, #tpu.memory_space<vmem>> -> memref<1x50x128xf32, #tpu.memory_space<vmem>>
      %dma_wait3A_719 = tpu.memref_squeeze %dma_wait3A_718 : memref<1x50x128xf32, #tpu.memory_space<vmem>> -> memref<50x128xf32, #tpu.memory_space<vmem>>
      %dma_wait3A_720 = arith.constant 280 : i32
      %dma_wait3A_721 = tpu.memref_slice %arg6[%dma_wait3A_720] : memref<896xi32, #tpu.memory_space<vmem>> -> memref<50xi32, #tpu.memory_space<vmem>>
      %dma_wait3A_722 = arith.constant 0 : i32
      %dma_wait3A_723 = arith.constant 0 : i32
      %dma_wait3A_724 = tpu.memref_slice %arg8[%dma_wait3A_722, %dma_wait3A_723] : memref<512x128xf32, #tpu.memory_space<vmem_shared>> -> memref<512x128xf32, #tpu.memory_space<vmem_shared>>
      tpu.wait_indirect_dma semaphore(%arg9 : memref<!tpu.dma_semaphore, #tpu.memory_space<semaphore_mem>>) src(%dma_wait3A_724 : memref<512x128xf32, #tpu.memory_space<vmem_shared>>) dst(%dma_wait3A_719 : memref<50x128xf32, #tpu.memory_space<vmem>>)
      %dma_wait3A_725 = arith.constant 6 : i32
      %dma_wait3A_726 = arith.constant 0 : i32
      %dma_wait3A_727 = arith.constant 0 : i32
      %dma_wait3A_728 = tpu.memref_slice %arg7[%dma_wait3A_725, %dma_wait3A_726, %dma_wait3A_727] : memref<16x50x128xf32, #tpu.memory_space<vmem>> -> memref<1x50x128xf32, #tpu.memory_space<vmem>>
      %dma_wait3A_729 = tpu.memref_squeeze %dma_wait3A_728 : memref<1x50x128xf32, #tpu.memory_space<vmem>> -> memref<50x128xf32, #tpu.memory_space<vmem>>
      %dma_wait3A_730 = arith.constant 336 : i32
      %dma_wait3A_731 = tpu.memref_slice %arg6[%dma_wait3A_730] : memref<896xi32, #tpu.memory_space<vmem>> -> memref<50xi32, #tpu.memory_space<vmem>>
      %dma_wait3A_732 = arith.constant 0 : i32
      %dma_wait3A_733 = arith.constant 0 : i32
      %dma_wait3A_734 = tpu.memref_slice %arg8[%dma_wait3A_732, %dma_wait3A_733] : memref<512x128xf32, #tpu.memory_space<vmem_shared>> -> memref<512x128xf32, #tpu.memory_space<vmem_shared>>
      tpu.wait_indirect_dma semaphore(%arg9 : memref<!tpu.dma_semaphore, #tpu.memory_space<semaphore_mem>>) src(%dma_wait3A_734 : memref<512x128xf32, #tpu.memory_space<vmem_shared>>) dst(%dma_wait3A_729 : memref<50x128xf32, #tpu.memory_space<vmem>>)
      %dma_wait3A_735 = arith.constant 7 : i32
      %dma_wait3A_736 = arith.constant 0 : i32
      %dma_wait3A_737 = arith.constant 0 : i32
      %dma_wait3A_738 = tpu.memref_slice %arg7[%dma_wait3A_735, %dma_wait3A_736, %dma_wait3A_737] : memref<16x50x128xf32, #tpu.memory_space<vmem>> -> memref<1x50x128xf32, #tpu.memory_space<vmem>>
      %dma_wait3A_739 = tpu.memref_squeeze %dma_wait3A_738 : memref<1x50x128xf32, #tpu.memory_space<vmem>> -> memref<50x128xf32, #tpu.memory_space<vmem>>
      %dma_wait3A_740 = arith.constant 392 : i32
      %dma_wait3A_741 = tpu.memref_slice %arg6[%dma_wait3A_740] : memref<896xi32, #tpu.memory_space<vmem>> -> memref<50xi32, #tpu.memory_space<vmem>>
      %dma_wait3A_742 = arith.constant 0 : i32
      %dma_wait3A_743 = arith.constant 0 : i32
      %dma_wait3A_744 = tpu.memref_slice %arg8[%dma_wait3A_742, %dma_wait3A_743] : memref<512x128xf32, #tpu.memory_space<vmem_shared>> -> memref<512x128xf32, #tpu.memory_space<vmem_shared>>
      tpu.wait_indirect_dma semaphore(%arg9 : memref<!tpu.dma_semaphore, #tpu.memory_space<semaphore_mem>>) src(%dma_wait3A_744 : memref<512x128xf32, #tpu.memory_space<vmem_shared>>) dst(%dma_wait3A_739 : memref<50x128xf32, #tpu.memory_space<vmem>>)
      %add3A_745 = arith.constant 0 : i32
      %add3A_746 = arith.addi %add3A_48, %add3A_745 : i32
      %dma_start3A_747 = arith.constant 0 : i32
      %dma_start3A_748 = arith.constant 0 : i32
      %dma_start3A_749 = arith.constant 0 : i32
      %dma_start3A_750 = tpu.memref_slice %arg7[%dma_start3A_747, %dma_start3A_748, %dma_start3A_749] : memref<16x50x128xf32, #tpu.memory_space<vmem>> -> memref<8x50x128xf32, #tpu.memory_space<vmem>>
      %dma_start3A_751 = arith.constant 0 : i32
      %dma_start3A_752 = arith.constant 0 : i32
      %dma_start3A_753 = tpu.memref_slice %arg4[%add3A_746, %dma_start3A_751, %dma_start3A_752] : memref<16384x50x128xf32, #tpu.memory_space<hbm>> -> memref<8x50x128xf32, #tpu.memory_space<hbm>>
      %dma_start3A_754 = arith.constant 0 : i32
      %dma_start3A_755 = arith.constant 0 : i32
      %dma_start3A_756 = tpu.memref_slice %arg4[%add3A_746, %dma_start3A_754, %dma_start3A_755] : memref<16384x50x128xf32, #tpu.memory_space<hbm>> -> memref<8x50x128xf32, #tpu.memory_space<hbm>>
      %dma_start3A_757 = arith.constant 0 : i32
      %dma_start3A_758 = arith.constant 0 : i32
      %dma_start3A_759 = arith.constant 0 : i32
      %dma_start3A_760 = tpu.memref_slice %arg7[%dma_start3A_757, %dma_start3A_758, %dma_start3A_759] : memref<16x50x128xf32, #tpu.memory_space<vmem>> -> memref<8x50x128xf32, #tpu.memory_space<vmem>>
      tpu.enqueue_dma source(%dma_start3A_760 : memref<8x50x128xf32, #tpu.memory_space<vmem>>) target(%dma_start3A_756 : memref<8x50x128xf32, #tpu.memory_space<hbm>>) target_semaphore(%arg11 : memref<!tpu.dma_semaphore, #tpu.memory_space<semaphore_mem>>)
      %dma_wait3A_761 = arith.constant 8 : i32
      %dma_wait3A_762 = arith.constant 0 : i32
      %dma_wait3A_763 = arith.constant 0 : i32
      %dma_wait3A_764 = tpu.memref_slice %arg7[%dma_wait3A_761, %dma_wait3A_762, %dma_wait3A_763] : memref<16x50x128xf32, #tpu.memory_space<vmem>> -> memref<1x50x128xf32, #tpu.memory_space<vmem>>
      %dma_wait3A_765 = tpu.memref_squeeze %dma_wait3A_764 : memref<1x50x128xf32, #tpu.memory_space<vmem>> -> memref<50x128xf32, #tpu.memory_space<vmem>>
      %dma_wait3A_766 = arith.constant 448 : i32
      %dma_wait3A_767 = tpu.memref_slice %arg6[%dma_wait3A_766] : memref<896xi32, #tpu.memory_space<vmem>> -> memref<50xi32, #tpu.memory_space<vmem>>
      %dma_wait3A_768 = arith.constant 0 : i32
      %dma_wait3A_769 = arith.constant 0 : i32
      %dma_wait3A_770 = tpu.memref_slice %arg8[%dma_wait3A_768, %dma_wait3A_769] : memref<512x128xf32, #tpu.memory_space<vmem_shared>> -> memref<512x128xf32, #tpu.memory_space<vmem_shared>>
      tpu.wait_indirect_dma semaphore(%arg10 : memref<!tpu.dma_semaphore, #tpu.memory_space<semaphore_mem>>) src(%dma_wait3A_770 : memref<512x128xf32, #tpu.memory_space<vmem_shared>>) dst(%dma_wait3A_765 : memref<50x128xf32, #tpu.memory_space<vmem>>)
      %dma_wait3A_771 = arith.constant 9 : i32
      %dma_wait3A_772 = arith.constant 0 : i32
      %dma_wait3A_773 = arith.constant 0 : i32
      %dma_wait3A_774 = tpu.memref_slice %arg7[%dma_wait3A_771, %dma_wait3A_772, %dma_wait3A_773] : memref<16x50x128xf32, #tpu.memory_space<vmem>> -> memref<1x50x128xf32, #tpu.memory_space<vmem>>
      %dma_wait3A_775 = tpu.memref_squeeze %dma_wait3A_774 : memref<1x50x128xf32, #tpu.memory_space<vmem>> -> memref<50x128xf32, #tpu.memory_space<vmem>>
      %dma_wait3A_776 = arith.constant 504 : i32
      %dma_wait3A_777 = tpu.memref_slice %arg6[%dma_wait3A_776] : memref<896xi32, #tpu.memory_space<vmem>> -> memref<50xi32, #tpu.memory_space<vmem>>
      %dma_wait3A_778 = arith.constant 0 : i32
      %dma_wait3A_779 = arith.constant 0 : i32
      %dma_wait3A_780 = tpu.memref_slice %arg8[%dma_wait3A_778, %dma_wait3A_779] : memref<512x128xf32, #tpu.memory_space<vmem_shared>> -> memref<512x128xf32, #tpu.memory_space<vmem_shared>>
      tpu.wait_indirect_dma semaphore(%arg10 : memref<!tpu.dma_semaphore, #tpu.memory_space<semaphore_mem>>) src(%dma_wait3A_780 : memref<512x128xf32, #tpu.memory_space<vmem_shared>>) dst(%dma_wait3A_775 : memref<50x128xf32, #tpu.memory_space<vmem>>)
      %dma_wait3A_781 = arith.constant 10 : i32
      %dma_wait3A_782 = arith.constant 0 : i32
      %dma_wait3A_783 = arith.constant 0 : i32
      %dma_wait3A_784 = tpu.memref_slice %arg7[%dma_wait3A_781, %dma_wait3A_782, %dma_wait3A_783] : memref<16x50x128xf32, #tpu.memory_space<vmem>> -> memref<1x50x128xf32, #tpu.memory_space<vmem>>
      %dma_wait3A_785 = tpu.memref_squeeze %dma_wait3A_784 : memref<1x50x128xf32, #tpu.memory_space<vmem>> -> memref<50x128xf32, #tpu.memory_space<vmem>>
      %dma_wait3A_786 = arith.constant 560 : i32
      %dma_wait3A_787 = tpu.memref_slice %arg6[%dma_wait3A_786] : memref<896xi32, #tpu.memory_space<vmem>> -> memref<50xi32, #tpu.memory_space<vmem>>
      %dma_wait3A_788 = arith.constant 0 : i32
      %dma_wait3A_789 = arith.constant 0 : i32
      %dma_wait3A_790 = tpu.memref_slice %arg8[%dma_wait3A_788, %dma_wait3A_789] : memref<512x128xf32, #tpu.memory_space<vmem_shared>> -> memref<512x128xf32, #tpu.memory_space<vmem_shared>>
      tpu.wait_indirect_dma semaphore(%arg10 : memref<!tpu.dma_semaphore, #tpu.memory_space<semaphore_mem>>) src(%dma_wait3A_790 : memref<512x128xf32, #tpu.memory_space<vmem_shared>>) dst(%dma_wait3A_785 : memref<50x128xf32, #tpu.memory_space<vmem>>)
      %dma_wait3A_791 = arith.constant 11 : i32
      %dma_wait3A_792 = arith.constant 0 : i32
      %dma_wait3A_793 = arith.constant 0 : i32
      %dma_wait3A_794 = tpu.memref_slice %arg7[%dma_wait3A_791, %dma_wait3A_792, %dma_wait3A_793] : memref<16x50x128xf32, #tpu.memory_space<vmem>> -> memref<1x50x128xf32, #tpu.memory_space<vmem>>
      %dma_wait3A_795 = tpu.memref_squeeze %dma_wait3A_794 : memref<1x50x128xf32, #tpu.memory_space<vmem>> -> memref<50x128xf32, #tpu.memory_space<vmem>>
      %dma_wait3A_796 = arith.constant 616 : i32
      %dma_wait3A_797 = tpu.memref_slice %arg6[%dma_wait3A_796] : memref<896xi32, #tpu.memory_space<vmem>> -> memref<50xi32, #tpu.memory_space<vmem>>
      %dma_wait3A_798 = arith.constant 0 : i32
      %dma_wait3A_799 = arith.constant 0 : i32
      %dma_wait3A_800 = tpu.memref_slice %arg8[%dma_wait3A_798, %dma_wait3A_799] : memref<512x128xf32, #tpu.memory_space<vmem_shared>> -> memref<512x128xf32, #tpu.memory_space<vmem_shared>>
      tpu.wait_indirect_dma semaphore(%arg10 : memref<!tpu.dma_semaphore, #tpu.memory_space<semaphore_mem>>) src(%dma_wait3A_800 : memref<512x128xf32, #tpu.memory_space<vmem_shared>>) dst(%dma_wait3A_795 : memref<50x128xf32, #tpu.memory_space<vmem>>)
      %dma_wait3A_801 = arith.constant 12 : i32
      %dma_wait3A_802 = arith.constant 0 : i32
      %dma_wait3A_803 = arith.constant 0 : i32
      %dma_wait3A_804 = tpu.memref_slice %arg7[%dma_wait3A_801, %dma_wait3A_802, %dma_wait3A_803] : memref<16x50x128xf32, #tpu.memory_space<vmem>> -> memref<1x50x128xf32, #tpu.memory_space<vmem>>
      %dma_wait3A_805 = tpu.memref_squeeze %dma_wait3A_804 : memref<1x50x128xf32, #tpu.memory_space<vmem>> -> memref<50x128xf32, #tpu.memory_space<vmem>>
      %dma_wait3A_806 = arith.constant 672 : i32
      %dma_wait3A_807 = tpu.memref_slice %arg6[%dma_wait3A_806] : memref<896xi32, #tpu.memory_space<vmem>> -> memref<50xi32, #tpu.memory_space<vmem>>
      %dma_wait3A_808 = arith.constant 0 : i32
      %dma_wait3A_809 = arith.constant 0 : i32
      %dma_wait3A_810 = tpu.memref_slice %arg8[%dma_wait3A_808, %dma_wait3A_809] : memref<512x128xf32, #tpu.memory_space<vmem_shared>> -> memref<512x128xf32, #tpu.memory_space<vmem_shared>>
      tpu.wait_indirect_dma semaphore(%arg10 : memref<!tpu.dma_semaphore, #tpu.memory_space<semaphore_mem>>) src(%dma_wait3A_810 : memref<512x128xf32, #tpu.memory_space<vmem_shared>>) dst(%dma_wait3A_805 : memref<50x128xf32, #tpu.memory_space<vmem>>)
      %dma_wait3A_811 = arith.constant 13 : i32
      %dma_wait3A_812 = arith.constant 0 : i32
      %dma_wait3A_813 = arith.constant 0 : i32
      %dma_wait3A_814 = tpu.memref_slice %arg7[%dma_wait3A_811, %dma_wait3A_812, %dma_wait3A_813] : memref<16x50x128xf32, #tpu.memory_space<vmem>> -> memref<1x50x128xf32, #tpu.memory_space<vmem>>
      %dma_wait3A_815 = tpu.memref_squeeze %dma_wait3A_814 : memref<1x50x128xf32, #tpu.memory_space<vmem>> -> memref<50x128xf32, #tpu.memory_space<vmem>>
      %dma_wait3A_816 = arith.constant 728 : i32
      %dma_wait3A_817 = tpu.memref_slice %arg6[%dma_wait3A_816] : memref<896xi32, #tpu.memory_space<vmem>> -> memref<50xi32, #tpu.memory_space<vmem>>
      %dma_wait3A_818 = arith.constant 0 : i32
      %dma_wait3A_819 = arith.constant 0 : i32
      %dma_wait3A_820 = tpu.memref_slice %arg8[%dma_wait3A_818, %dma_wait3A_819] : memref<512x128xf32, #tpu.memory_space<vmem_shared>> -> memref<512x128xf32, #tpu.memory_space<vmem_shared>>
      tpu.wait_indirect_dma semaphore(%arg10 : memref<!tpu.dma_semaphore, #tpu.memory_space<semaphore_mem>>) src(%dma_wait3A_820 : memref<512x128xf32, #tpu.memory_space<vmem_shared>>) dst(%dma_wait3A_815 : memref<50x128xf32, #tpu.memory_space<vmem>>)
      %dma_wait3A_821 = arith.constant 14 : i32
      %dma_wait3A_822 = arith.constant 0 : i32
      %dma_wait3A_823 = arith.constant 0 : i32
      %dma_wait3A_824 = tpu.memref_slice %arg7[%dma_wait3A_821, %dma_wait3A_822, %dma_wait3A_823] : memref<16x50x128xf32, #tpu.memory_space<vmem>> -> memref<1x50x128xf32, #tpu.memory_space<vmem>>
      %dma_wait3A_825 = tpu.memref_squeeze %dma_wait3A_824 : memref<1x50x128xf32, #tpu.memory_space<vmem>> -> memref<50x128xf32, #tpu.memory_space<vmem>>
      %dma_wait3A_826 = arith.constant 784 : i32
      %dma_wait3A_827 = tpu.memref_slice %arg6[%dma_wait3A_826] : memref<896xi32, #tpu.memory_space<vmem>> -> memref<50xi32, #tpu.memory_space<vmem>>
      %dma_wait3A_828 = arith.constant 0 : i32
      %dma_wait3A_829 = arith.constant 0 : i32
      %dma_wait3A_830 = tpu.memref_slice %arg8[%dma_wait3A_828, %dma_wait3A_829] : memref<512x128xf32, #tpu.memory_space<vmem_shared>> -> memref<512x128xf32, #tpu.memory_space<vmem_shared>>
      tpu.wait_indirect_dma semaphore(%arg10 : memref<!tpu.dma_semaphore, #tpu.memory_space<semaphore_mem>>) src(%dma_wait3A_830 : memref<512x128xf32, #tpu.memory_space<vmem_shared>>) dst(%dma_wait3A_825 : memref<50x128xf32, #tpu.memory_space<vmem>>)
      %dma_wait3A_831 = arith.constant 15 : i32
      %dma_wait3A_832 = arith.constant 0 : i32
      %dma_wait3A_833 = arith.constant 0 : i32
      %dma_wait3A_834 = tpu.memref_slice %arg7[%dma_wait3A_831, %dma_wait3A_832, %dma_wait3A_833] : memref<16x50x128xf32, #tpu.memory_space<vmem>> -> memref<1x50x128xf32, #tpu.memory_space<vmem>>
      %dma_wait3A_835 = tpu.memref_squeeze %dma_wait3A_834 : memref<1x50x128xf32, #tpu.memory_space<vmem>> -> memref<50x128xf32, #tpu.memory_space<vmem>>
      %dma_wait3A_836 = arith.constant 840 : i32
      %dma_wait3A_837 = tpu.memref_slice %arg6[%dma_wait3A_836] : memref<896xi32, #tpu.memory_space<vmem>> -> memref<50xi32, #tpu.memory_space<vmem>>
      %dma_wait3A_838 = arith.constant 0 : i32
      %dma_wait3A_839 = arith.constant 0 : i32
      %dma_wait3A_840 = tpu.memref_slice %arg8[%dma_wait3A_838, %dma_wait3A_839] : memref<512x128xf32, #tpu.memory_space<vmem_shared>> -> memref<512x128xf32, #tpu.memory_space<vmem_shared>>
      tpu.wait_indirect_dma semaphore(%arg10 : memref<!tpu.dma_semaphore, #tpu.memory_space<semaphore_mem>>) src(%dma_wait3A_840 : memref<512x128xf32, #tpu.memory_space<vmem_shared>>) dst(%dma_wait3A_835 : memref<50x128xf32, #tpu.memory_space<vmem>>)
      %add3A_841 = arith.constant 8 : i32
      %add3A_842 = arith.addi %add3A_48, %add3A_841 : i32
      %dma_start3A_843 = arith.constant 8 : i32
      %dma_start3A_844 = arith.constant 0 : i32
      %dma_start3A_845 = arith.constant 0 : i32
      %dma_start3A_846 = tpu.memref_slice %arg7[%dma_start3A_843, %dma_start3A_844, %dma_start3A_845] : memref<16x50x128xf32, #tpu.memory_space<vmem>> -> memref<8x50x128xf32, #tpu.memory_space<vmem>>
      %dma_start3A_847 = arith.constant 0 : i32
      %dma_start3A_848 = arith.constant 0 : i32
      %dma_start3A_849 = tpu.memref_slice %arg4[%add3A_842, %dma_start3A_847, %dma_start3A_848] : memref<16384x50x128xf32, #tpu.memory_space<hbm>> -> memref<8x50x128xf32, #tpu.memory_space<hbm>>
      %dma_start3A_850 = arith.constant 0 : i32
      %dma_start3A_851 = arith.constant 0 : i32
      %dma_start3A_852 = tpu.memref_slice %arg4[%add3A_842, %dma_start3A_850, %dma_start3A_851] : memref<16384x50x128xf32, #tpu.memory_space<hbm>> -> memref<8x50x128xf32, #tpu.memory_space<hbm>>
      %dma_start3A_853 = arith.constant 8 : i32
      %dma_start3A_854 = arith.constant 0 : i32
      %dma_start3A_855 = arith.constant 0 : i32
      %dma_start3A_856 = tpu.memref_slice %arg7[%dma_start3A_853, %dma_start3A_854, %dma_start3A_855] : memref<16x50x128xf32, #tpu.memory_space<vmem>> -> memref<8x50x128xf32, #tpu.memory_space<vmem>>
      tpu.enqueue_dma source(%dma_start3A_856 : memref<8x50x128xf32, #tpu.memory_space<vmem>>) target(%dma_start3A_852 : memref<8x50x128xf32, #tpu.memory_space<hbm>>) target_semaphore(%arg12 : memref<!tpu.dma_semaphore, #tpu.memory_space<semaphore_mem>>)
    }
    %scan3A_7 = arith.constant 32 : i32
    %mul3A_8 = arith.constant 512 : i32
    %mul3A_9 = arith.muli %add3A, %mul3A_8 : i32
    %add3A_10 = arith.constant 496 : i32
    %add3A_11 = arith.addi %mul3A_9, %add3A_10 : i32
    %add3A_12 = arith.constant 0 : i32
    %add3A_13 = arith.addi %add3A_11, %add3A_12 : i32
    %dma_wait3A = arith.constant 0 : i32
    %dma_wait3A_14 = arith.constant 0 : i32
    %dma_wait3A_15 = arith.constant 0 : i32
    %dma_wait3A_16 = tpu.memref_slice %arg7[%dma_wait3A, %dma_wait3A_14, %dma_wait3A_15] : memref<16x50x128xf32, #tpu.memory_space<vmem>> -> memref<8x50x128xf32, #tpu.memory_space<vmem>>
    %dma_wait3A_17 = arith.constant 0 : i32
    %dma_wait3A_18 = arith.constant 0 : i32
    %dma_wait3A_19 = tpu.memref_slice %arg4[%add3A_13, %dma_wait3A_17, %dma_wait3A_18] : memref<16384x50x128xf32, #tpu.memory_space<hbm>> -> memref<8x50x128xf32, #tpu.memory_space<hbm>>
    %dma_wait3A_20 = arith.constant 0 : i32
    %dma_wait3A_21 = arith.constant 0 : i32
    %dma_wait3A_22 = tpu.memref_slice %arg4[%add3A_13, %dma_wait3A_20, %dma_wait3A_21] : memref<16384x50x128xf32, #tpu.memory_space<hbm>> -> memref<8x50x128xf32, #tpu.memory_space<hbm>>
    %dma_wait3A_23 = arith.constant 0 : i32
    %dma_wait3A_24 = arith.constant 0 : i32
    %dma_wait3A_25 = arith.constant 0 : i32
    %dma_wait3A_26 = tpu.memref_slice %arg7[%dma_wait3A_23, %dma_wait3A_24, %dma_wait3A_25] : memref<16x50x128xf32, #tpu.memory_space<vmem>> -> memref<8x50x128xf32, #tpu.memory_space<vmem>>
    tpu.wait_dma2 semaphore(%arg11 : memref<!tpu.dma_semaphore, #tpu.memory_space<semaphore_mem>>) src(%dma_wait3A_26 : memref<8x50x128xf32, #tpu.memory_space<vmem>>) dst(%dma_wait3A_22 : memref<8x50x128xf32, #tpu.memory_space<hbm>>)
    %add3A_27 = arith.constant 8 : i32
    %add3A_28 = arith.addi %add3A_11, %add3A_27 : i32
    %dma_wait3A_29 = arith.constant 8 : i32
    %dma_wait3A_30 = arith.constant 0 : i32
    %dma_wait3A_31 = arith.constant 0 : i32
    %dma_wait3A_32 = tpu.memref_slice %arg7[%dma_wait3A_29, %dma_wait3A_30, %dma_wait3A_31] : memref<16x50x128xf32, #tpu.memory_space<vmem>> -> memref<8x50x128xf32, #tpu.memory_space<vmem>>
    %dma_wait3A_33 = arith.constant 0 : i32
    %dma_wait3A_34 = arith.constant 0 : i32
    %dma_wait3A_35 = tpu.memref_slice %arg4[%add3A_28, %dma_wait3A_33, %dma_wait3A_34] : memref<16384x50x128xf32, #tpu.memory_space<hbm>> -> memref<8x50x128xf32, #tpu.memory_space<hbm>>
    %dma_wait3A_36 = arith.constant 0 : i32
    %dma_wait3A_37 = arith.constant 0 : i32
    %dma_wait3A_38 = tpu.memref_slice %arg4[%add3A_28, %dma_wait3A_36, %dma_wait3A_37] : memref<16384x50x128xf32, #tpu.memory_space<hbm>> -> memref<8x50x128xf32, #tpu.memory_space<hbm>>
    %dma_wait3A_39 = arith.constant 8 : i32
    %dma_wait3A_40 = arith.constant 0 : i32
    %dma_wait3A_41 = arith.constant 0 : i32
    %dma_wait3A_42 = tpu.memref_slice %arg7[%dma_wait3A_39, %dma_wait3A_40, %dma_wait3A_41] : memref<16x50x128xf32, #tpu.memory_space<vmem>> -> memref<8x50x128xf32, #tpu.memory_space<vmem>>
    tpu.wait_dma2 semaphore(%arg12 : memref<!tpu.dma_semaphore, #tpu.memory_space<semaphore_mem>>) src(%dma_wait3A_42 : memref<8x50x128xf32, #tpu.memory_space<vmem>>) dst(%dma_wait3A_38 : memref<8x50x128xf32, #tpu.memory_space<hbm>>)
    return
  }
}

module attributes {stable_mosaic.version = 14 : i64} {
  func.func @_cidx_body(%arg0: i32, %arg1: memref<1024x50xi32, #tpu.memory_space<vmem>>, %arg2: memref<1024x50xi32, #tpu.memory_space<vmem>>, %arg3: memref<1024x50xi32, #tpu.memory_space<vmem>>, %arg4: memref<1024x128xi32, #tpu.memory_space<vmem>>) attributes {dimension_semantics = [#tpu.dimension_semantics<arbitrary>], iteration_bounds = array<i64: 16>, scalar_prefetch = 0 : i64, scratch_operands = 0 : i64, tpu.core_type = #tpu.core_type<tc>, window_params = [{transform_indices = @transform_0, window_bounds = array<i64: 1024, 50>}, {transform_indices = @transform_1, window_bounds = array<i64: 1024, 50>}, {transform_indices = @transform_2, window_bounds = array<i64: 1024, 50>}, {transform_indices = @transform_3, window_bounds = array<i64: 1024, 128>}]} {
    %get3A = arith.constant 0 : index
    %get3A_0 = arith.constant 0 : index
    %get3A_1 = vector.load %arg1[%get3A, %get3A_0] : memref<1024x50xi32, #tpu.memory_space<vmem>>, vector<1024x50xi32>
    %mul3A = arith.constant 64 : i32
    %mul3A_2 = vector.broadcast %mul3A : i32 to vector<1024x50xi32>
    %mul3A_3 = arith.muli %get3A_1, %mul3A_2 : vector<1024x50xi32>
    %get3A_4 = arith.constant 0 : index
    %get3A_5 = arith.constant 0 : index
    %get3A_6 = vector.load %arg2[%get3A_4, %get3A_5] : memref<1024x50xi32, #tpu.memory_space<vmem>>, vector<1024x50xi32>
    %mul3A_7 = arith.constant 8 : i32
    %mul3A_8 = vector.broadcast %mul3A_7 : i32 to vector<1024x50xi32>
    %mul3A_9 = arith.muli %get3A_6, %mul3A_8 : vector<1024x50xi32>
    %add3A = arith.addi %mul3A_3, %mul3A_9 : vector<1024x50xi32>
    %get3A_10 = arith.constant 0 : index
    %get3A_11 = arith.constant 0 : index
    %get3A_12 = vector.load %arg3[%get3A_10, %get3A_11] : memref<1024x50xi32, #tpu.memory_space<vmem>>, vector<1024x50xi32>
    %add3A_13 = arith.addi %add3A, %get3A_12 : vector<1024x50xi32>
    %iota3A = tpu.iota {dimensions = array<i32: 0>} : vector<1024x78xi32>
    %iota3A_14 = tpu.iota {dimensions = array<i32: 1>} : vector<1024x78xi32>
    %mul3A_15 = arith.constant 9 : i32
    %mul3A_16 = vector.broadcast %mul3A_15 : i32 to vector<1024x78xi32>
    %mul3A_17 = arith.muli %iota3A, %mul3A_16 : vector<1024x78xi32>
    %mul3A_18 = arith.constant 13 : i32
    %mul3A_19 = vector.broadcast %mul3A_18 : i32 to vector<1024x78xi32>
    %mul3A_20 = arith.muli %iota3A_14, %mul3A_19 : vector<1024x78xi32>
    %add3A_21 = arith.addi %mul3A_17, %mul3A_20 : vector<1024x78xi32>
    %and3A = arith.constant 511 : i32
    %and3A_22 = vector.broadcast %and3A : i32 to vector<1024x78xi32>
    %and3A_23 = arith.andi %add3A_21, %and3A_22 : vector<1024x78xi32>
    %concatenate3A = tpu.concatenate %add3A_13, %and3A_23 in 1 : vector<1024x50xi32>, vector<1024x78xi32> -> vector<1024x128xi32>
    %swap3A = arith.constant 0 : index
    %swap3A_24 = arith.constant 0 : index
    %swap3A_25 = vector.load %arg4[%swap3A, %swap3A_24] : memref<1024x128xi32, #tpu.memory_space<vmem>>, vector<1024x128xi32>
    tpu.vector_store %arg4[%swap3A, %swap3A_24], %concatenate3A {strides = array<i32>} : memref<1024x128xi32, #tpu.memory_space<vmem>>, vector<1024x128xi32>,
    return
  }
  func.func @transform_0(%arg0: i32) -> (i32, i32) {
    %c0_i32 = arith.constant 0 : i32
    %c0_i32_0 = arith.constant 0 : i32
    return %arg0, %c0_i32 : i32, i32
  }
  func.func @transform_1(%arg0: i32) -> (i32, i32) {
    %c0_i32 = arith.constant 0 : i32
    %c0_i32_0 = arith.constant 0 : i32
    return %arg0, %c0_i32 : i32, i32
  }
  func.func @transform_2(%arg0: i32) -> (i32, i32) {
    %c0_i32 = arith.constant 0 : i32
    %c0_i32_0 = arith.constant 0 : i32
    return %arg0, %c0_i32 : i32, i32
  }
  func.func @transform_3(%arg0: i32) -> (i32, i32) {
    %c0_i32 = arith.constant 0 : i32
    %c0_i32_0 = arith.constant 0 : i32
    return %arg0, %c0_i32 : i32, i32
  }
}

module attributes {stable_mosaic.version = 14 : i64} {
  func.func @_table_body(%arg0: memref<8x128xf32, #tpu.memory_space<vmem>>, %arg1: memref<8x128xf32, #tpu.memory_space<vmem>>, %arg2: memref<8x128xf32, #tpu.memory_space<vmem>>, %arg3: memref<512x128xf32, #tpu.memory_space<vmem>>) attributes {dimension_semantics = [], scalar_prefetch = 0 : i64, scratch_operands = 0 : i64, tpu.core_type = #tpu.core_type<tc>} {
    %iota3A = tpu.iota {dimensions = array<i32: 0>} : vector<512x8xi32>
    %iota3A_0 = tpu.iota {dimensions = array<i32: 1>} : vector<512x8xi32>
    %shift_right_arithmetic3A = arith.constant 6 : i32
    %shift_right_arithmetic3A_1 = vector.broadcast %shift_right_arithmetic3A : i32 to vector<512x8xi32>
    %shift_right_arithmetic3A_2 = arith.shrsi %iota3A, %shift_right_arithmetic3A_1 : vector<512x8xi32>
    %eq3A = arith.cmpi eq, %shift_right_arithmetic3A_2, %iota3A_0 : vector<512x8xi32>
    %jit3A = arith.constant 1.000000e+00 : f32
    %jit3A_3 = arith.constant 0.000000e+00 : f32
    %broadcast_in_dim3A = vector.broadcast %jit3A : f32 to vector<512x8xf32>
    %broadcast_in_dim3A_4 = vector.broadcast %jit3A_3 : f32 to vector<512x8xf32>
    %select_n3A = arith.select %eq3A, %broadcast_in_dim3A, %broadcast_in_dim3A_4 : vector<512x8xi1>, vector<512x8xf32>
    %shift_right_arithmetic3A_5 = arith.constant 3 : i32
    %shift_right_arithmetic3A_6 = vector.broadcast %shift_right_arithmetic3A_5 : i32 to vector<512x8xi32>
    %shift_right_arithmetic3A_7 = arith.shrsi %iota3A, %shift_right_arithmetic3A_6 : vector<512x8xi32>
    %and3A = arith.constant 7 : i32
    %and3A_8 = vector.broadcast %and3A : i32 to vector<512x8xi32>
    %and3A_9 = arith.andi %shift_right_arithmetic3A_7, %and3A_8 : vector<512x8xi32>
    %eq3A_10 = arith.cmpi eq, %and3A_9, %iota3A_0 : vector<512x8xi32>
    %jit3A_11 = arith.constant 1.000000e+00 : f32
    %jit3A_12 = arith.constant 0.000000e+00 : f32
    %broadcast_in_dim3A_13 = vector.broadcast %jit3A_11 : f32 to vector<512x8xf32>
    %broadcast_in_dim3A_14 = vector.broadcast %jit3A_12 : f32 to vector<512x8xf32>
    %select_n3A_15 = arith.select %eq3A_10, %broadcast_in_dim3A_13, %broadcast_in_dim3A_14 : vector<512x8xi1>, vector<512x8xf32>
    %and3A_16 = arith.constant 7 : i32
    %and3A_17 = vector.broadcast %and3A_16 : i32 to vector<512x8xi32>
    %and3A_18 = arith.andi %iota3A, %and3A_17 : vector<512x8xi32>
    %eq3A_19 = arith.cmpi eq, %and3A_18, %iota3A_0 : vector<512x8xi32>
    %jit3A_20 = arith.constant 1.000000e+00 : f32
    %jit3A_21 = arith.constant 0.000000e+00 : f32
    %broadcast_in_dim3A_22 = vector.broadcast %jit3A_20 : f32 to vector<512x8xf32>
    %broadcast_in_dim3A_23 = vector.broadcast %jit3A_21 : f32 to vector<512x8xf32>
    %select_n3A_24 = arith.select %eq3A_19, %broadcast_in_dim3A_22, %broadcast_in_dim3A_23 : vector<512x8xi1>, vector<512x8xf32>
    %get3A = arith.constant 0 : index
    %get3A_25 = arith.constant 0 : index
    %get3A_26 = vector.load %arg0[%get3A, %get3A_25] : memref<8x128xf32, #tpu.memory_space<vmem>>, vector<8x128xf32>
    %dot_general3A = arith.constant dense<0.000000e+00> : vector<512x128xf32>
    %dot_general3A_27 = tpu.matmul %select_n3A, %get3A_26, %dot_general3A {dimension_numbers = #tpu.dot_dimension_numbers<[1], [0], [0], [1], [0, 0, 1, 1], [], []>, transpose_lhs_hint = false} : vector<512x8xf32>, vector<8x128xf32>, vector<512x128xf32> -> vector<512x128xf32>
    %get3A_28 = arith.constant 0 : index
    %get3A_29 = arith.constant 0 : index
    %get3A_30 = vector.load %arg1[%get3A_28, %get3A_29] : memref<8x128xf32, #tpu.memory_space<vmem>>, vector<8x128xf32>
    %dot_general3A_31 = arith.constant dense<0.000000e+00> : vector<512x128xf32>
    %dot_general3A_32 = tpu.matmul %select_n3A_15, %get3A_30, %dot_general3A_31 {dimension_numbers = #tpu.dot_dimension_numbers<[1], [0], [0], [1], [0, 0, 1, 1], [], []>, transpose_lhs_hint = false} : vector<512x8xf32>, vector<8x128xf32>, vector<512x128xf32> -> vector<512x128xf32>
    %add3A = arith.addf %dot_general3A_27, %dot_general3A_32 : vector<512x128xf32>
    %get3A_33 = arith.constant 0 : index
    %get3A_34 = arith.constant 0 : index
    %get3A_35 = vector.load %arg2[%get3A_33, %get3A_34] : memref<8x128xf32, #tpu.memory_space<vmem>>, vector<8x128xf32>
    %dot_general3A_36 = arith.constant dense<0.000000e+00> : vector<512x128xf32>
    %dot_general3A_37 = tpu.matmul %select_n3A_24, %get3A_35, %dot_general3A_36 {dimension_numbers = #tpu.dot_dimension_numbers<[1], [0], [0], [1], [0, 0, 1, 1], [], []>, transpose_lhs_hint = false} : vector<512x8xf32>, vector<8x128xf32>, vector<512x128xf32> -> vector<512x128xf32>
    %add3A_38 = arith.addf %add3A, %dot_general3A_37 : vector<512x128xf32>
    %swap3A = arith.constant 0 : index
    %swap3A_39 = arith.constant 0 : index
    %swap3A_40 = vector.load %arg3[%swap3A, %swap3A_39] : memref<512x128xf32, #tpu.memory_space<vmem>>, vector<512x128xf32>
    tpu.vector_store %arg3[%swap3A, %swap3A_39], %add3A_38 {strides = array<i32>} : memref<512x128xf32, #tpu.memory_space<vmem>>, vector<512x128xf32>,
    return
  }
}

</mosaic_0001>

<sc_bundles>
// kernel: kernel.5.cloned.1.call-start
scs
__scs_entry_jumppad:
0x0: {  	(pc) =	sbr.rel $0x88, $3  }
0x1: {  	(tag) =	ssettag $0x0;
	lr =	simm.s32 $0x1  }
0x2: {  	[smem:$0x3F9B] =	sst lr;
	_ =	strace $0xD0000000  }
0x3: {  	_ = 	snop  }
0x4: {  	_ = 	snop  }
0x5: {  	_ = 	snop  }
0x6: {  	_ = 	snop  }
0x7: {  	_ = 	snop  }
__scs_overlays_trampoline_lowered:
0x8: {  	[smem:$0x3FAA] =	sst s0  }
0x9: {  	[smem:$0x3FAB] =	sst s1  }
0xa: {  	[smem:$0x3FAC] =	sst s2  }
0xb: {  	[smem:$0x3FAD] =	sst s3  }
0xc: {  	[smem:$0x3FAE] =	sst s4  }
0xd: {  	[smem:$0x3FAF] =	sst s5  }
0xe: {  	[smem:$0x3FB0] =	sst s6  }
0xf: {  	[smem:$0x3FB1] =	sst s7  }
0x10: {  	[smem:$0x3FB2] =	sst s8  }
0x11: {  	[smem:$0x3FB3] =	sst s9;
	s0 =	simm.s32 @!p0 $0x0  }
0x12: {  	s1 =	sld [smem:$0x3F99];
	s0 =	simm.s32 @p0 $0x1  }
0x13: {  	[smem:$0x3FB4] =	sst s0;
	s0 =	simm.s32 @!p1 $0x0  }
0x14: {  	s2 =	sld [smem:$0x3F98];
	s0 =	simm.s32 @p1 $0x1  }
0x15: {  	[smem:$0x3FB5] =	sst s0;
	s0 =	simm.s32 @!p2 $0x0  }
0x16: {  	s3 =	sld [smem:$0x3FDB];
	s0 =	simm.s32 @p2 $0x1  }
0x17: {  	s4 =	simm.s32 $0x1BF5;
	[smem:$0x3FB7] =	sst s0  }
0x18: {  	s0 =	sld [smem:$0x3F9A];
	_ =	swait.ge [sflag:s4], $0x0  }
0x19: {  	s7 =	sld [smem:$0x3F9B]  }
0x1a: {  	s8 =	sadd.s32 $0xFFFFE003, lr  }
0x1b: {  	s9 =	sadd.s32 $0xFFFFFEF7, lr;
	s5 =	simm.s32 $0xFFFFFFFF;
	p2 =	slt.u32 s8, $0xFFFFF086  }
0x1c: {  	p1 =	slt.u32 s9, $0xF7A;
	s5 =	simm.s32 @!p2 $0x0  }
0x1d: {  	s5 =	simm.s32 @p1 $0x1;
	p0 =	seq.s32 s7, s2  }
0x1e: {  	s7 =	smul.u32 @!p0 $0xF7A, s2;
	p2 =	seq.s32 @!p0 s5, $0x0  }
0x1f: {  	s9 =	smul.u32 $0xF7A, s1;
	s8 =	simm.s32 @!p0 $0x1BF5;
	p2 =	por !p2, p0  }
0x20: {  	[sflag:s8] =	ssyncset.s32 @!p0 $0xFFFFF086;
	s6 =	sadd.s32 @!p0 s3, s7;
	s7 =	simm.s32 @!p0 $0x108  }
0x21: {  	s3 =	sadd.s32 s3, s9;
	s6 =	sadd.s32 @!p0 $0x88, s6;
	s7 =	simm.s32 @p2 $0x1082  }
0x22: {  	[simem:s7], [sflag:s8] =	dma.local @!p0 [hbm:s6], $0xF7A  }
0x23: {  	s9 =	sor.u32 $0xD0000000, s2;
	s6 =	simm.s32 $0x108;
	_ =	swait.ge @!p0 [sflag:s8], $0x0  }
0x24: {  	s3 =	sadd.s32 $0x88, s3;
	s6 =	simm.s32 @!p1 $0x1082;
	[sflag:s4] =	ssyncset.s32 $0xFFFFF086  }
0x25: {  	[simem:s6], [sflag:s4] =	dma.local [hbm:s3], $0xF7A  }
0x26: {  	[smem:$0x3F9B] =	sst s1;
	(tag) =	ssettag s2;
	_ =	strace s9  }
0x27: {  	s1 =	sld [smem:$0x3FAB]  }
0x28: {  	s2 =	sld [smem:$0x3FAC]  }
0x29: {  	s4 =	sld [smem:$0x3FAE]  }
0x2a: {  	p0 =	seq.s32 s5, $0x0;
	s5 =	sld [smem:$0x3FAF]  }
0x2b: {  	s6 =	sld [smem:$0x3FB0]  }
0x2c: {  	s7 =	sld [smem:$0x3FB1]  }
0x2d: {  	s3 =	simm.s32 $0x108;
	s8 =	sld [smem:$0x3FB2]  }
0x2e: {  	s3 =	simm.s32 @!p0 $0x1082;
	s9 =	sld [smem:$0x3FB3]  }
0x2f: {  	lr =	sadd.s32 s0, s3;
	s0 =	sld [smem:$0x3FAA]  }
0x30: {  	s3 =	sld [smem:$0x3FAD]  }
0x31: {  	[smem:$0x3FB6] =	sst s10  }
0x32: {  	s10 =	sld [smem:$0x3FB4];
	_ =	sdelay $0x3  }
0x33: {  	p0 =	seq.s32 s10, $0x1;
	s10 =	sld [smem:$0x3FB6];
	_ =	sdelay $0x3  }
0x34: {  	[smem:$0x3FB6] =	sst s10  }
0x35: {  	s10 =	sld [smem:$0x3FB5];
	_ =	sdelay $0x3  }
0x36: {  	p1 =	seq.s32 s10, $0x1;
	s10 =	sld [smem:$0x3FB6];
	_ =	sdelay $0x3  }
0x37: {  	[smem:$0x3FB6] =	sst s10  }
0x38: {  	s10 =	sld [smem:$0x3FB7]  }
0x39: {  	_ = 	snop;
	(pc) =	sbr.ind lr, $3  }
0x3a: {  	_ = 	snop  }
0x3b: {  	_ = 	snop  }
0x3c: {  	p2 =	seq.s32 s10, $0x1;
	s10 =	sld [smem:$0x3FB6]  }
0x3d: {  	_ =	shalt  }
0x3e: {  	_ =	shalt  }
0x3f: {  	_ =	shalt  }
0x40: {  	_ =	shalt  }
0x41: {  	_ =	shalt  }
0x42: {  	_ =	shalt  }
0x43: {  	_ =	shalt  }
0x44: {  	_ =	shalt  }
0x45: {  	_ =	shalt  }
0x46: {  	_ =	shalt  }
0x47: {  	_ =	shalt  }
0x48: {  	_ =	shalt  }
0x49: {  	_ =	shalt  }
0x4a: {  	_ =	shalt  }
0x4b: {  	_ =	shalt  }
0x4c: {  	_ =	shalt  }
0x4d: {  	_ =	shalt  }
0x4e: {  	_ =	shalt  }
0x4f: {  	_ =	shalt  }
0x50: {  	_ =	shalt  }
0x51: {  	_ =	shalt  }
0x52: {  	_ =	shalt  }
0x53: {  	_ =	shalt  }
0x54: {  	_ =	shalt  }
0x55: {  	_ =	shalt  }
0x56: {  	_ =	shalt  }
0x57: {  	_ =	shalt  }
0x58: {  	_ =	shalt  }
0x59: {  	_ =	shalt  }
0x5a: {  	_ =	shalt  }
0x5b: {  	_ =	shalt  }
0x5c: {  	_ =	shalt  }
0x5d: {  	_ =	shalt  }
0x5e: {  	_ =	shalt  }
0x5f: {  	_ =	shalt  }
0x60: {  	_ =	shalt  }
0x61: {  	_ =	shalt  }
0x62: {  	_ =	shalt  }
0x63: {  	_ =	shalt  }
0x64: {  	_ =	shalt  }
0x65: {  	_ =	shalt  }
0x66: {  	_ =	shalt  }
0x67: {  	_ =	shalt  }
0x68: {  	_ =	shalt  }
0x69: {  	_ =	shalt  }
0x6a: {  	_ =	shalt  }
0x6b: {  	_ =	shalt  }
0x6c: {  	_ =	shalt  }
0x6d: {  	_ =	shalt  }
0x6e: {  	_ =	shalt  }
0x6f: {  	_ =	shalt  }
0x70: {  	_ =	shalt  }
0x71: {  	_ =	shalt  }
0x72: {  	_ =	shalt  }
0x73: {  	_ =	shalt  }
0x74: {  	_ =	shalt  }
0x75: {  	_ =	shalt  }
0x76: {  	_ =	shalt  }
0x77: {  	_ =	shalt  }
0x78: {  	_ =	shalt  }
0x79: {  	_ =	shalt  }
0x7a: {  	_ =	shalt  }
0x7b: {  	_ =	shalt  }
0x7c: {  	_ =	shalt  }
0x7d: {  	_ =	shalt  }
0x7e: {  	_ =	shalt  }
0x7f: {  	_ =	shalt  }
0x80: {  	_ =	shalt  }
0x81: {  	_ =	shalt  }
0x82: {  	_ =	shalt  }
0x83: {  	_ =	shalt  }
0x84: {  	_ =	shalt  }
0x85: {  	_ =	shalt  }
0x86: {  	_ =	shalt  }
0x87: {  	_ =	shalt  }
.Lfunc_end0:
.L_simem_size_0:
called_computation_lowered:
.L_overlay_start_0:
0x88: {  	s2 =	sld [smem:$0x3FD9]  }
0x89: {  	s3 =	sld [smem:$0x3FFE];
	_ =	sdelay $0x1  }
0x8a: {  	s1 =	srdreg.scid  }
0x8b: {  	s0 =	sand.u32 $0x1, s1  }
0x8c: {  	s17 =	sshll.u32 s0, $0xA;
	s2 =	sadd.s32 s3, s2  }
0x8d: {  	s2 =	sadd.s32 s2, s17  }
0x8e: {  	[smem:$0x3FC2] =	sst s2  }
0x8f: {  	_ = 	snop  }
0x90: {  	s2 =	sld [smem:$0x3FD0];
	(tm) =	ssettm $0x1  }
0x91: {  	s18 =	sld [smem:$0x3FFB];
	_ =	sdelay $0x3  }
0x92: {  	_ =	strace s18  }
0x93: {  	s3 =	sld [smem:$0x3FFC];
	_ =	sdelay $0x3  }
0x94: {  	_ =	strace s3  }
0x95: {  	s3 =	sld [smem:$0x3FFD];
	_ =	sdelay $0x3  }
0x96: {  	_ =	strace s3  }
0x97: {  	_ =	strace $0x8FFFFFFF  }
0x98: {  	s19 =	sld [smem:$0x3FDB];
	_ =	sdelay $0x1  }
0x99: {  	s4 =	simm.s32 $_scs_section_size  }
0x9a: {  	s5 =	simm.s32 $_size__tile_overlayer_lowered;
	s6 =	simm.s32 $_tile_overlayer_lowered  }
0x9b: {  	s22 =	simm.s32 $0x1BFF;
	s21 =	sshll.u32 s6, $0x1;
	s3 =	sadd.s32 s4, s19  }
0x9c: {  	s7 =	simm.s32 $0x0;
	s20 =	sshll.u32 s5, $0x1;
	s5 =	sadd.s32 s21, s3  }
0x9d: {  	[timem:s7], [sflag:s22] =	dma.local [hbm:s5], s20  }
0x9e: {  	_ =	swait.ge [sflag:s22], s20  }
0x9f: {  	s4 =	ssub.s32 $0x0, s20;
	[sflag:s22] =	ssyncset.done $0x0  }
0xa0: {  	[sflag:s22] =	ssyncadd.s32 s4;
	_ =	sdelay $0x1  }
0xa1: {  	s23 =	simm.s32 $0x1B8B  }
0xa2: {  	_ =	swait.ge [sflag:s23], $0x1  }
0xa3: {  	[sflag:s23] =	ssyncset.done $0x0  }
0xa4: {  	s25 =	simm.s32 $0x1B8E;
	s24 =	sld [smem:$0x3FFE];
	[sflag:s23] =	ssyncadd.s32 $0xFFFFFFFF  }
0xa5: {  	s26 =	simm.s32 $execute0_lowered;
	[smem:$0x3FD2] =	sst s25  }
0xa6: {  	s5 =	sshll.u32 s26, $0x1;
	_ =	strace $0x80000046;
	[dreg:$0x1] =	wrdreg $0xFFFFFFFF  }
0xa7: {  	s28 =	simm.s32 $_size_execute0_lowered;
	s3 =	sadd.s32 s3, s5;
	[dreg:$0x0] =	wrdreg $0x0  }
0xa8: {  	s5 =	sshll.u32 s28, $0x1;
	[dreg:$0x2] =	wrdreg s3  }
0xa9: {  	[dreg:$0x3] =	wrdreg s5  }
0xaa: {  	[dreg:$0x4] =	wrdreg $0xC0  }
0xab: {  	_ =	task [dreg:s7], $0x5FFFF  }
0xac: {  	[dreg:$0x1] =	wrdreg $0xFFFFFFFF  }
0xad: {  	[dreg:$0x0] =	wrdreg $0x60  }
0xae: {  	[dreg:$0x2] =	wrdreg s24  }
0xaf: {  	[dreg:$0x3] =	wrdreg s2  }
0xb0: {  	[dreg:$0x4] =	wrdreg $0x1CB800  }
0xb1: {  	[dreg:$0x5] =	wrdreg $0x9  }
0xb2: {  	_ =	task.clear_ibuf [dreg:s7], $0x6FFFF;
	_ =	strace $0x90000046  }
0xb3: {  	s29 =	simm.s32 $0x9;
	_ =	strace $0x80000048  }
0xb4: {  	_ =	swait.ge [sflag:s29], $0x1  }
0xb5: {  	[sflag:s29] =	ssyncadd.s32 $0xFFFFFFFF  }
0xb6: {  	_ =	strace $0x90000048  }
0xb7: {  	_ =	sfence  }
0xb8: {  	s30 =	sld [smem:$0x0];
	_ =	sdelay $0x2  }
0xb9: {  	s31 =	sshll.u32 s1, $0xD;
	s1 =	sshrl.u32 s1, $0x2  }
0xba: {  	s3 =	sand.u32 $0x4000, s31;
	s1 =	sadd.s32 s1, s30  }
0xbb: {  	s0 =	sor.u32 s3, s0;
	s1 =	sshll.u32 s1, $0x11  }
0xbc: {  	s0 =	sor.u32 s1, s0  }
0xbd: {  	s0 =	sadd.s32 $0x8F2B, s0  }
0xbe: {  	[sflag:s0] =	ssyncadd.remote.s32 $0x1  }
0xbf: {  	_ =	sfence.sel $0xFFFF  }
0xc0: {  	[dreg:$0x0] =	wrdreg $0xFFFFFFFF;
	(pc) =	sbr.abs _section_cstart, $3  }
0xc1: {  	[dreg:$0x1] =	wrdreg $0xFFFFFFFF  }
0xc2: {  	_ =	task.clear_ibuf [dreg:s7], $0x2FFFF;
	_ =	strace $0x9FFFFFFF  }
0xc3: {  	(tm) =	ssettm $0x7FFFFFFF  }
tec
execute0_lowered:
.L_overlay_start_1:
0x0: {  	(tag) =	ssettag $0x1  }
0x1: {  	s4 =	rddreg [dreg:$0x0]  }
0x2: {  	s5 =	rddreg [dreg:$0x1]  }
0x3: {  	s1 =	rddreg [dreg:$0x2]  }
0x4: {  	s0 =	rddreg [dreg:$0x3]  }
0x5: {  	s3 =	srdreg.scid;
	s6 =	stileid.u32  }
0x6: {  	s2 =	simm.s32 $0x0;
	s21 =	simm.s32 $0x9C0;
	s22 =	simm.s32 $0x9F8  }
0x7: {  	s23 =	simm.s32 $0xA30;
	s24 =	simm.s32 $0xA68;
	[smem:$0x7FF] =	sst s2  }
0x8: {  	s25 =	simm.s32 $0xAA0;
	_ =	strace $0x80000047;
	[dreg:$0x6] =	wrdreg s21  }
0x9: {  	s26 =	simm.s32 $0xAD8;
	s28 =	simm.s32 $0xB10;
	[dreg:$0x7] =	wrdreg s22  }
0xa: {  	s29 =	simm.s32 $0xB48;
	s30 =	simm.s32 $0xB80;
	[dreg:$0x8] =	wrdreg s23  }
0xb: {  	s31 =	simm.s32 $0x2780;
	s13 =	simm.s32 $0x4380;
	[dreg:$0x9] =	wrdreg s24  }
0xc: {  	s14 =	simm.s32 $0x5F80;
	s15 =	simm.s32 $0x7B80;
	[dreg:$0xa] =	wrdreg s25  }
0xd: {  	s16 =	simm.s32 $0x9780;
	s17 =	simm.s32 $0xB380;
	[dreg:$0xb] =	wrdreg s26  }
0xe: {  	s7 =	sand.u32 $0x1, s3;
	s8 =	smul.u32 $0x700000, s6;
	[dreg:$0xc] =	wrdreg s28  }
0xf: {  	s3 =	sadd.s32 $0x41200, s4;
	s4 =	sadd.s32 $0x43200, s4;
	[dreg:$0xd] =	wrdreg s29  }
0x10: {  	s10 =	smul.u32 $0xE0000, s6;
	s20 =	sshll.u32 s6, $0xE;
	[dreg:$0xe] =	wrdreg s30  }
0x11: {  	p0 =	sne.s32 s6, $0x0;
	s9 =	smul.u32 $0x380000, s7;
	[dreg:$0xf] =	wrdreg s31  }
0x12: {  	s18 =	ssub.s32 $0x2, s7;
	s12 =	smul.u32 $0x70000, s7;
	[dreg:$0x10] =	wrdreg s13  }
0x13: {  	s5 =	sadd.s32 s20, s5;
	s7 =	sshll.u32 s7, $0xD;
	[dreg:$0x11] =	wrdreg s14  }
0x14: {  	s6 =	sshrl.u32 @!p0 s1, $0x3;
	s13 =	simm.s32 $0x15B80;
	[dreg:$0x12] =	wrdreg s15  }
0x15: {  	s14 =	simm.s32 $0x17780;
	s15 =	simm.s32 $0x19380;
	[dreg:$0x13] =	wrdreg s16  }
0x16: {  	s16 =	simm.s32 $0x1AF80;
	[dreg:$0x14] =	wrdreg s17;
	s17 =	simm.s32 $0x1  }
0x17: {  	s20 =	simm.s32 $0x4;
	s21 =	simm.s32 $0x0;
	s11 =	sshrl.u32 s18, $0x1  }
0x18: {  	s10 =	sadd.s32 s10, s4;
	s5 =	sadd.s32 s7, s5;
	s7 =	simm.s32 $0x5  }
0x19: {  	s8 =	sadd.s32 s9, s8;
	s9 =	ssub.s32 s18, s11;
	s19 =	sadd.s32 s12, s10  }
0x1a: {  	s10 =	simm.s32 $0x10780;
	s11 =	simm.s32 $0x12380;
	s12 =	simm.s32 $0x13F80  }
0x1b: {  	s18 =	simm.s32 $0xCF80;
	s8 =	sor.u32 $0xE000, s8;
	[dreg:$0x5] =	wrdreg s19  }
0x1c: {  	[dreg:$0x15] =	wrdreg s18;
	s18 =	simm.s32 $0x2;
	s8 =	sshrl.u32 s8, $0x3  }
0x1d: {  	s19 =	simm.s32 $0x3;
	s8 =	sadd.s32 s8, s4;
	s4 =	smax.u32 s9, $0x1  }
0x1e: {  	s9 =	simm.s32 $0xEB80;
	[dreg:$0x4] =	wrdreg s8;
	s8 =	simm.s32 $0x32  }
.LBB2_1:
0x1f: {  	s22 =	simm.s32 @!p0 $0x1C05  }
0x20: {  	[spmem:s6], [sflag:s22] =	dma.local @!p0 [hbm:s3], $0x2000  }
0x21: {  	s22 =	simm.s32 @!p0 $0x5  }
0x22: {  	_ =	swait.ge @!p0 [sflag:s22], $0x2000  }
0x23: {  	[sflag:s22] =	ssyncset.done @!p0 $0x0  }
0x24: {  	[sflag:s22] =	ssyncadd.s32 @!p0 $0xFFFFE000  }
0x25: {  	s23 =	simm.s32 $0x0;
	s22 =	smov.u32 s5;
	[bflag:$0x0] =	sbarrier.arrive $0xFFFF  }
.LBB2_2:
0x26: {  	[tilespmem:s2], [sflag:$0x5] =	stream.linear.gather [hbm4b:s22+s2], $0x800, $0x38;
	[tilespmem:$0x1DB80] =	vst v63  }
0x27: {  	_ =	swait.ge [sflag:s7], $0x800  }
0x28: {  	[sflag:s7] =	ssyncset.done $0x0  }
0x29: {  	[sflag:s7] =	ssyncadd.s32 $0xFFFFF800  }
0x2a: {  	v0 =	vld [tilespmem:$0x0]  }
0x2b: {  	v1 =	vld [tilespmem:$0x10]  }
0x2c: {  	v2 =	vld [tilespmem:$0x20]  }
0x2d: {  	v4 =	vld [tilespmem:$0x80]  }
0x2e: {  	v61 =	vld [tilespmem:$0x90]  }
0x2f: {  	v62 =	vld [tilespmem:$0xA0];
	[tilespmem:$0x800] =	vst v0  }
0x30: {  	v8 =	vld [tilespmem:$0x100];
	[tilespmem:$0x810] =	vst v1  }
0x31: {  	v9 =	vld [tilespmem:$0x110];
	[tilespmem:$0x820] =	vst v2  }
0x32: {  	v10 =	vld [tilespmem:$0x120];
	[tilespmem:$0x838] =	vst v4  }
0x33: {  	v12 =	vld [tilespmem:$0x180];
	[tilespmem:$0x848] =	vst v61  }
0x34: {  	v13 =	vld [tilespmem:$0x190];
	[tilespmem:$0x858] =	vst v62  }
0x35: {  	v14 =	vld [tilespmem:$0x1A0];
	[tilespmem:$0x870] =	vst v8  }
0x36: {  	v16 =	vld [tilespmem:$0x200];
	[tilespmem:$0x880] =	vst v9  }
0x37: {  	v17 =	vld [tilespmem:$0x210];
	[tilespmem:$0x890] =	vst v10  }
0x38: {  	v18 =	vld [tilespmem:$0x220];
	[tilespmem:$0x8A8] =	vst v12  }
0x39: {  	v20 =	vld [tilespmem:$0x280];
	[tilespmem:$0x8B8] =	vst v13  }
0x3a: {  	v21 =	vld [tilespmem:$0x290];
	[tilespmem:$0x8C8] =	vst v14  }
0x3b: {  	v22 =	vld [tilespmem:$0x2A0];
	[tilespmem:$0x8E0] =	vst v16  }
0x3c: {  	v24 =	vld [tilespmem:$0x300];
	[tilespmem:$0x8F0] =	vst v17  }
0x3d: {  	v25 =	vld [tilespmem:$0x310];
	[tilespmem:$0x900] =	vst v18  }
0x3e: {  	v26 =	vld [tilespmem:$0x320];
	[tilespmem:$0x918] =	vst v20  }
0x3f: {  	v28 =	vld [tilespmem:$0x380];
	[tilespmem:$0x928] =	vst v21  }
0x40: {  	v29 =	vld [tilespmem:$0x390];
	[tilespmem:$0x938] =	vst v22  }
0x41: {  	v30 =	vld [tilespmem:$0x3A0];
	[tilespmem:$0x950] =	vst v24  }
0x42: {  	v32 =	vld [tilespmem:$0x400];
	[tilespmem:$0x960] =	vst v25  }
0x43: {  	v33 =	vld [tilespmem:$0x410];
	[tilespmem:$0x970] =	vst v26  }
0x44: {  	v34 =	vld [tilespmem:$0x420];
	[tilespmem:$0x988] =	vst v28  }
0x45: {  	v36 =	vld [tilespmem:$0x480];
	[tilespmem:$0x998] =	vst v29  }
0x46: {  	v37 =	vld [tilespmem:$0x490];
	[tilespmem:$0x9A8] =	vst v30  }
0x47: {  	v38 =	vld [tilespmem:$0x4A0];
	[tilespmem:$0x9C0] =	vst v32  }
0x48: {  	v40 =	vld [tilespmem:$0x500];
	[tilespmem:$0x9D0] =	vst v33  }
0x49: {  	v41 =	vld [tilespmem:$0x510];
	[tilespmem:$0x9E0] =	vst v34  }
0x4a: {  	v42 =	vld [tilespmem:$0x520];
	[tilespmem:$0x9F8] =	vst v36  }
0x4b: {  	v44 =	vld [tilespmem:$0x580];
	[tilespmem:$0xA08] =	vst v37  }
0x4c: {  	v45 =	vld [tilespmem:$0x590];
	[tilespmem:$0xA18] =	vst v38  }
0x4d: {  	v46 =	vld [tilespmem:$0x5A0];
	[tilespmem:$0xA30] =	vst v40  }
0x4e: {  	v48 =	vld [tilespmem:$0x600];
	[tilespmem:$0xA40] =	vst v41  }
0x4f: {  	v49 =	vld [tilespmem:$0x610];
	[tilespmem:$0xA50] =	vst v42  }
0x50: {  	v50 =	vld [tilespmem:$0x620];
	[tilespmem:$0xA68] =	vst v44  }
0x51: {  	v52 =	vld [tilespmem:$0x680];
	[tilespmem:$0xA78] =	vst v45  }
0x52: {  	v53 =	vld [tilespmem:$0x690];
	[tilespmem:$0xA88] =	vst v46  }
0x53: {  	v54 =	vld [tilespmem:$0x6A0];
	[tilespmem:$0xAA0] =	vst v48  }
0x54: {  	v56 =	vld [tilespmem:$0x700];
	[tilespmem:$0xAB0] =	vst v49  }
0x55: {  	v57 =	vld [tilespmem:$0x710];
	[tilespmem:$0xAC0] =	vst v50  }
0x56: {  	v58 =	vld [tilespmem:$0x720];
	[tilespmem:$0xAD8] =	vst v52  }
0x57: {  	v60 =	vld [tilespmem:$0x780];
	[tilespmem:$0xAE8] =	vst v53  }
0x58: {  	v3 =	vld [tilespmem:$0x28];
	[tilespmem:$0xAF8] =	vst v54  }
0x59: {  	v63 =	vld [tilespmem:$0xA8];
	[tilespmem:$0xB10] =	vst v56  }
0x5a: {  	v11 =	vld [tilespmem:$0x128];
	[tilespmem:$0xB20] =	vst v57  }
0x5b: {  	v15 =	vld [tilespmem:$0x1A8];
	[tilespmem:$0xB30] =	vst v58  }
0x5c: {  	v19 =	vld [tilespmem:$0x228];
	[tilespmem:$0xB48] =	vst v60  }
0x5d: {  	v23 =	vld [tilespmem:$0x2A8];
	[tilespmem:$0x828] =	vst v3  }
0x5e: {  	v27 =	vld [tilespmem:$0x328];
	[tilespmem:$0x860] =	vst v63  }
0x5f: {  	v31 =	vld [tilespmem:$0x3A8];
	[tilespmem:$0x898] =	vst v11  }
0x60: {  	v35 =	vld [tilespmem:$0x428];
	[tilespmem:$0x8D0] =	vst v15  }
0x61: {  	v39 =	vld [tilespmem:$0x4A8];
	[tilespmem:$0x908] =	vst v19  }
0x62: {  	v43 =	vld [tilespmem:$0x528];
	[tilespmem:$0x940] =	vst v23  }
0x63: {  	v47 =	vld [tilespmem:$0x5A8];
	[tilespmem:$0x978] =	vst v27  }
0x64: {  	v51 =	vld [tilespmem:$0x628];
	[tilespmem:$0x9B0] =	vst v31  }
0x65: {  	v55 =	vld [tilespmem:$0x6A8];
	[tilespmem:$0x9E8] =	vst v35  }
0x66: {  	v59 =	vld [tilespmem:$0x728];
	[tilespmem:$0xA20] =	vst v39  }
0x67: {  	v61 =	vld [tilespmem:$0x790];
	[tilespmem:$0xA58] =	vst v43  }
0x68: {  	v62 =	vld [tilespmem:$0x7A0];
	[tilespmem:$0xA90] =	vst v47  }
0x69: {  	[tilespmem:$0xAC8] =	vst v51;
	v63 =	vld [tilespmem:$0x7A8]  }
0x6a: {  	[tilespmem:$0xB00] =	vst v55  }
0x6b: {  	[tilespmem:$0xB38] =	vst v59  }
0x6c: {  	[tilespmem:$0xB58] =	vst v61  }
0x6d: {  	p1 =	seq.s32 s23, $0x0;
	[tilespmem:$0xB68] =	vst v62  }
0x6e: {  	s24 =	simm.s32 @p1 $0x32;
	s25 =	simm.s32 @p1 $0x800;
	s26 =	simm.s32 @p1 $0xB80;
	[tilespmem:$0xB70] =	vst v63  }
0x6f: {  	[tilespmem:s26], [sflag:$0x1] =	stream.indirect.gather @p1 [spmem:s1], $0x80, s25, s24, $0xb8;
	[tilespmem:$0x1DB80] =	vst v63  }
0x70: {  	s25 =	simm.s32 @p1 $0x838;
	s26 =	simm.s32 @p1 $0x2780  }
0x71: {  	[tilespmem:s26], [sflag:$0x1] =	stream.indirect.gather @p1 [spmem:s1], $0x80, s25, s24, $0xb8;
	[tilespmem:$0x1DB80] =	vst v63  }
0x72: {  	s25 =	simm.s32 @p1 $0x870;
	s26 =	simm.s32 @p1 $0x4380  }
0x73: {  	[tilespmem:s26], [sflag:$0x1] =	stream.indirect.gather @p1 [spmem:s1], $0x80, s25, s24, $0xb8;
	[tilespmem:$0x1DB80] =	vst v63  }
0x74: {  	s25 =	simm.s32 @p1 $0x8A8;
	s26 =	simm.s32 @p1 $0x5F80  }
0x75: {  	[tilespmem:s26], [sflag:$0x1] =	stream.indirect.gather @p1 [spmem:s1], $0x80, s25, s24, $0xb8;
	[tilespmem:$0x1DB80] =	vst v63  }
0x76: {  	s25 =	simm.s32 @p1 $0x8E0;
	s26 =	simm.s32 @p1 $0x7B80  }
0x77: {  	[tilespmem:s26], [sflag:$0x1] =	stream.indirect.gather @p1 [spmem:s1], $0x80, s25, s24, $0xb8;
	[tilespmem:$0x1DB80] =	vst v63  }
0x78: {  	s25 =	simm.s32 @p1 $0x918;
	s26 =	simm.s32 @p1 $0x9780  }
0x79: {  	[tilespmem:s26], [sflag:$0x1] =	stream.indirect.gather @p1 [spmem:s1], $0x80, s25, s24, $0xb8;
	[tilespmem:$0x1DB80] =	vst v63  }
0x7a: {  	s25 =	simm.s32 @p1 $0x950;
	s26 =	simm.s32 @p1 $0xB380  }
0x7b: {  	[tilespmem:s26], [sflag:$0x1] =	stream.indirect.gather @p1 [spmem:s1], $0x80, s25, s24, $0xb8;
	[tilespmem:$0x1DB80] =	vst v63  }
0x7c: {  	s25 =	simm.s32 @p1 $0x988;
	s26 =	simm.s32 @p1 $0xCF80  }
0x7d: {  	[tilespmem:s26], [sflag:$0x1] =	stream.indirect.gather @p1 [spmem:s1], $0x80, s25, s24, $0xb8;
	[tilespmem:$0x1DB80] =	vst v63  }
0x7e: {  	s24 =	simm.s32 @!p1 $0x3  }
0x7f: {  	_ =	swait.ge @!p1 [sflag:s24], $0xC800  }
0x80: {  	s25 =	simm.s32 @!p1 $0x800;
	[sflag:s24] =	ssyncset.done @!p1 $0x0  }
0x81: {  	s26 =	simm.s32 @!p1 $0xB80;
	[sflag:s24] =	ssyncadd.s32 @!p1 $0xFFFF3800;
	s24 =	simm.s32 @!p1 $0x32  }
0x82: {  	[tilespmem:s26], [sflag:$0x1] =	stream.indirect.gather @!p1 [spmem:s1], $0x80, s25, s24, $0xb8;
	[tilespmem:$0x1DB80] =	vst v63  }
0x83: {  	s25 =	simm.s32 @!p1 $0x838;
	s26 =	simm.s32 @!p1 $0x2780  }
0x84: {  	[tilespmem:s26], [sflag:$0x1] =	stream.indirect.gather @!p1 [spmem:s1], $0x80, s25, s24, $0xb8;
	[tilespmem:$0x1DB80] =	vst v63  }
0x85: {  	s25 =	simm.s32 @!p1 $0x870;
	s26 =	simm.s32 @!p1 $0x4380  }
0x86: {  	[tilespmem:s26], [sflag:$0x1] =	stream.indirect.gather @!p1 [spmem:s1], $0x80, s25, s24, $0xb8;
	[tilespmem:$0x1DB80] =	vst v63  }
0x87: {  	s25 =	simm.s32 @!p1 $0x8A8;
	s26 =	simm.s32 @!p1 $0x5F80  }
0x88: {  	[tilespmem:s26], [sflag:$0x1] =	stream.indirect.gather @!p1 [spmem:s1], $0x80, s25, s24, $0xb8;
	[tilespmem:$0x1DB80] =	vst v63  }
0x89: {  	s25 =	simm.s32 @!p1 $0x8E0;
	s26 =	simm.s32 @!p1 $0x7B80  }
0x8a: {  	[tilespmem:s26], [sflag:$0x1] =	stream.indirect.gather @!p1 [spmem:s1], $0x80, s25, s24, $0xb8;
	[tilespmem:$0x1DB80] =	vst v63  }
0x8b: {  	s25 =	simm.s32 @!p1 $0x918;
	s26 =	simm.s32 @!p1 $0x9780  }
0x8c: {  	[tilespmem:s26], [sflag:$0x1] =	stream.indirect.gather @!p1 [spmem:s1], $0x80, s25, s24, $0xb8;
	[tilespmem:$0x1DB80] =	vst v63  }
0x8d: {  	s25 =	simm.s32 @!p1 $0x950;
	s26 =	simm.s32 @!p1 $0xB380  }
0x8e: {  	[tilespmem:s26], [sflag:$0x1] =	stream.indirect.gather @!p1 [spmem:s1], $0x80, s25, s24, $0xb8;
	[tilespmem:$0x1DB80] =	vst v63  }
0x8f: {  	s25 =	simm.s32 @!p1 $0x988;
	s26 =	simm.s32 @!p1 $0xCF80  }
0x90: {  	[tilespmem:s26], [sflag:$0x1] =	stream.indirect.gather @!p1 [spmem:s1], $0x80, s25, s24, $0xb8;
	[tilespmem:$0x1DB80] =	vst v63  }
0x91: {  	s24 =	simm.s32 @!p1 $0x4  }
0x92: {  	_ =	swait.ge @!p1 [sflag:s24], $0xC800  }
0x93: {  	[sflag:s24] =	ssyncset.done @!p1 $0x0  }
0x94: {  	s30 =	rddreg [dreg:$0x6];
	[sflag:s24] =	ssyncadd.s32 @!p1 $0xFFFF3800  }
0x95: {  	[tilespmem:s9], [sflag:$0x2] =	stream.indirect.gather [spmem:s1], $0x80, s30, s8, $0xb8;
	[tilespmem:$0x1DB80] =	vst v63  }
0x96: {  	s31 =	rddreg [dreg:$0x7]  }
0x97: {  	[tilespmem:s10], [sflag:$0x2] =	stream.indirect.gather [spmem:s1], $0x80, s31, s8, $0xb8;
	[tilespmem:$0x1DB80] =	vst v63  }
0x98: {  	s26 =	rddreg [dreg:$0x8]  }
0x99: {  	[tilespmem:s11], [sflag:$0x2] =	stream.indirect.gather [spmem:s1], $0x80, s26, s8, $0xb8;
	[tilespmem:$0x1DB80] =	vst v63  }
0x9a: {  	s28 =	rddreg [dreg:$0x9]  }
0x9b: {  	[tilespmem:s12], [sflag:$0x2] =	stream.indirect.gather [spmem:s1], $0x80, s28, s8, $0xb8;
	[tilespmem:$0x1DB80] =	vst v63  }
0x9c: {  	s29 =	rddreg [dreg:$0xa]  }
0x9d: {  	[tilespmem:s13], [sflag:$0x2] =	stream.indirect.gather [spmem:s1], $0x80, s29, s8, $0xb8;
	[tilespmem:$0x1DB80] =	vst v63  }
0x9e: {  	s30 =	rddreg [dreg:$0xb]  }
0x9f: {  	[tilespmem:s14], [sflag:$0x2] =	stream.indirect.gather [spmem:s1], $0x80, s30, s8, $0xb8;
	[tilespmem:$0x1DB80] =	vst v63  }
0xa0: {  	s31 =	rddreg [dreg:$0xc]  }
0xa1: {  	[tilespmem:s15], [sflag:$0x2] =	stream.indirect.gather [spmem:s1], $0x80, s31, s8, $0xb8;
	[tilespmem:$0x1DB80] =	vst v63  }
0xa2: {  	s26 =	rddreg [dreg:$0xd]  }
0xa3: {  	[tilespmem:s16], [sflag:$0x2] =	stream.indirect.gather [spmem:s1], $0x80, s26, s8, $0xb8;
	[tilespmem:$0x1DB80] =	vst v63  }
0xa4: {  	_ =	swait.ge [sflag:s17], $0x1900  }
0xa5: {  	[sflag:s17] =	ssyncset.done $0x0  }
0xa6: {  	[sflag:s17] =	ssyncadd.s32 $0xFFFFE700  }
0xa7: {  	_ =	swait.ge [sflag:s17], $0x1900  }
0xa8: {  	[sflag:s17] =	ssyncset.done $0x0  }
0xa9: {  	[sflag:s17] =	ssyncadd.s32 $0xFFFFE700  }
0xaa: {  	_ =	swait.ge [sflag:s17], $0x1900  }
0xab: {  	[sflag:s17] =	ssyncset.done $0x0  }
0xac: {  	[sflag:s17] =	ssyncadd.s32 $0xFFFFE700  }
0xad: {  	_ =	swait.ge [sflag:s17], $0x1900  }
0xae: {  	[sflag:s17] =	ssyncset.done $0x0  }
0xaf: {  	[sflag:s17] =	ssyncadd.s32 $0xFFFFE700  }
0xb0: {  	_ =	swait.ge [sflag:s17], $0x1900  }
0xb1: {  	[sflag:s17] =	ssyncset.done $0x0  }
0xb2: {  	[sflag:s17] =	ssyncadd.s32 $0xFFFFE700  }
0xb3: {  	_ =	swait.ge [sflag:s17], $0x1900  }
0xb4: {  	[sflag:s17] =	ssyncset.done $0x0  }
0xb5: {  	[sflag:s17] =	ssyncadd.s32 $0xFFFFE700  }
0xb6: {  	_ =	swait.ge [sflag:s17], $0x1900  }
0xb7: {  	[sflag:s17] =	ssyncset.done $0x0  }
0xb8: {  	[sflag:s17] =	ssyncadd.s32 $0xFFFFE700  }
0xb9: {  	_ =	swait.ge [sflag:s17], $0x1900  }
0xba: {  	s28 =	rddreg [dreg:$0x5];
	[sflag:s17] =	ssyncset.done $0x0  }
0xbb: {  	s29 =	rddreg [dreg:$0xe];
	[sflag:s17] =	ssyncadd.s32 $0xFFFFE700;
	s24 =	sadd.s32 s23, s28  }
0xbc: {  	[hbm4b:s24+s2] =	stream.linear.scatter [tilespmem:s29], [sflag:$0x3], $0x1900, $0x38;
	[tilespmem:$0x1DB80] =	vst v63  }
0xbd: {  	s30 =	rddreg [dreg:$0xf];
	s31 =	sadd.s32 $0x380, s24  }
0xbe: {  	[hbm4b:s31+s2] =	stream.linear.scatter [tilespmem:s30], [sflag:$0x3], $0x1900, $0x38;
	[tilespmem:$0x1DB80] =	vst v63  }
0xbf: {  	s28 =	rddreg [dreg:$0x10];
	s26 =	sadd.s32 $0x700, s24  }
0xc0: {  	[hbm4b:s26+s2] =	stream.linear.scatter [tilespmem:s28], [sflag:$0x3], $0x1900, $0x38;
	[tilespmem:$0x1DB80] =	vst v63  }
0xc1: {  	s29 =	rddreg [dreg:$0x11];
	s30 =	sadd.s32 $0xA80, s24  }
0xc2: {  	[hbm4b:s30+s2] =	stream.linear.scatter [tilespmem:s29], [sflag:$0x3], $0x1900, $0x38;
	[tilespmem:$0x1DB80] =	vst v63  }
0xc3: {  	s31 =	rddreg [dreg:$0x12];
	s26 =	sadd.s32 $0xE00, s24  }
0xc4: {  	[hbm4b:s26+s2] =	stream.linear.scatter [tilespmem:s31], [sflag:$0x3], $0x1900, $0x38;
	[tilespmem:$0x1DB80] =	vst v63  }
0xc5: {  	s29 =	rddreg [dreg:$0x13];
	s30 =	sadd.s32 $0x1180, s24  }
0xc6: {  	[hbm4b:s30+s2] =	stream.linear.scatter [tilespmem:s29], [sflag:$0x3], $0x1900, $0x38;
	[tilespmem:$0x1DB80] =	vst v63  }
0xc7: {  	s31 =	rddreg [dreg:$0x14];
	s26 =	sadd.s32 $0x1500, s24  }
0xc8: {  	[hbm4b:s26+s2] =	stream.linear.scatter [tilespmem:s31], [sflag:$0x3], $0x1900, $0x38;
	[tilespmem:$0x1DB80] =	vst v63  }
0xc9: {  	s24 =	sadd.s32 $0x1880, s24;
	s29 =	rddreg [dreg:$0x15]  }
0xca: {  	[hbm4b:s24+s2] =	stream.linear.scatter [tilespmem:s29], [sflag:$0x3], $0x1900, $0x38;
	[tilespmem:$0x1DB80] =	vst v63  }
0xcb: {  	_ =	swait.ge [sflag:s18], $0x1900  }
0xcc: {  	[sflag:s18] =	ssyncset.done $0x0  }
0xcd: {  	[sflag:s18] =	ssyncadd.s32 $0xFFFFE700  }
0xce: {  	_ =	swait.ge [sflag:s18], $0x1900  }
0xcf: {  	[sflag:s18] =	ssyncset.done $0x0  }
0xd0: {  	[sflag:s18] =	ssyncadd.s32 $0xFFFFE700  }
0xd1: {  	_ =	swait.ge [sflag:s18], $0x1900  }
0xd2: {  	[sflag:s18] =	ssyncset.done $0x0  }
0xd3: {  	[sflag:s18] =	ssyncadd.s32 $0xFFFFE700  }
0xd4: {  	_ =	swait.ge [sflag:s18], $0x1900  }
0xd5: {  	[sflag:s18] =	ssyncset.done $0x0  }
0xd6: {  	[sflag:s18] =	ssyncadd.s32 $0xFFFFE700  }
0xd7: {  	_ =	swait.ge [sflag:s18], $0x1900  }
0xd8: {  	[sflag:s18] =	ssyncset.done $0x0  }
0xd9: {  	[sflag:s18] =	ssyncadd.s32 $0xFFFFE700  }
0xda: {  	_ =	swait.ge [sflag:s18], $0x1900  }
0xdb: {  	[sflag:s18] =	ssyncset.done $0x0  }
0xdc: {  	[sflag:s18] =	ssyncadd.s32 $0xFFFFE700  }
0xdd: {  	_ =	swait.ge [sflag:s18], $0x1900  }
0xde: {  	[sflag:s18] =	ssyncset.done $0x0  }
0xdf: {  	[sflag:s18] =	ssyncadd.s32 $0xFFFFE700  }
0xe0: {  	_ =	swait.ge [sflag:s18], $0x1900  }
0xe1: {  	s30 =	rddreg [dreg:$0x4];
	[sflag:s18] =	ssyncset.done $0x0  }
0xe2: {  	[sflag:s18] =	ssyncadd.s32 $0xFFFFE700;
	s24 =	sadd.s32 s23, s30  }
0xe3: {  	[hbm4b:s24+s2] =	stream.linear.scatter [tilespmem:s9], [sflag:$0x4], $0x1900, $0x38;
	[tilespmem:$0x1DB80] =	vst v63  }
0xe4: {  	s31 =	sadd.s32 $0x380, s24  }
0xe5: {  	[hbm4b:s31+s2] =	stream.linear.scatter [tilespmem:s10], [sflag:$0x4], $0x1900, $0x38;
	[tilespmem:$0x1DB80] =	vst v63  }
0xe6: {  	s26 =	sadd.s32 $0x700, s24  }
0xe7: {  	[hbm4b:s26+s2] =	stream.linear.scatter [tilespmem:s11], [sflag:$0x4], $0x1900, $0x38;
	[tilespmem:$0x1DB80] =	vst v63  }
0xe8: {  	s28 =	sadd.s32 $0xA80, s24  }
0xe9: {  	[hbm4b:s28+s2] =	stream.linear.scatter [tilespmem:s12], [sflag:$0x4], $0x1900, $0x38;
	[tilespmem:$0x1DB80] =	vst v63  }
0xea: {  	s23 =	sadd.s32 $0x3800, s23;
	s29 =	sadd.s32 $0xE00, s24  }
0xeb: {  	[hbm4b:s29+s2] =	stream.linear.scatter [tilespmem:s13], [sflag:$0x4], $0x1900, $0x38;
	[tilespmem:$0x1DB80] =	vst v63  }
0xec: {  	s30 =	sadd.s32 $0x1180, s24;
	p1 =	sne.s32 s23, $0x70000  }
0xed: {  	[hbm4b:s30+s2] =	stream.linear.scatter [tilespmem:s14], [sflag:$0x4], $0x1900, $0x38;
	[tilespmem:$0x1DB80] =	vst v63  }
.Ltmp0:
0xee: {  	_ = 	snop;
	(pc) =	sbr.rel @p1 .LBB2_2-.Ltmp0, $4  }
0xef: {  	s31 =	sadd.s32 $0x1500, s24  }
0xf0: {  	[hbm4b:s31+s2] =	stream.linear.scatter [tilespmem:s15], [sflag:$0x4], $0x1900, $0x38;
	[tilespmem:$0x1DB80] =	vst v63  }
0xf1: {  	s22 =	sadd.s32 $0x100, s22;
	s24 =	sadd.s32 $0x1880, s24  }
0xf2: {  	[hbm4b:s24+s2] =	stream.linear.scatter [tilespmem:s16], [sflag:$0x4], $0x1900, $0x38;
	[tilespmem:$0x1DB80] =	vst v63  }
0xf3: {  	s21 =	sadd.s32 $0x1, s21  }
0xf4: {  	_ =	swait.ge [sflag:s19], $0xC800;
	p1 =	sne.s32 s21, s4  }
.Ltmp1:
0xf5: {  	[sflag:s19] =	ssyncset.done $0x0;
	(pc) =	sbr.rel @p1 .LBB2_1-.Ltmp1, $4  }
0xf6: {  	[sflag:s19] =	ssyncadd.s32 $0xFFFF3800  }
0xf7: {  	_ =	swait.ge [sflag:s20], $0xC800  }
0xf8: {  	[sflag:s20] =	ssyncset.done $0x0  }
0xf9: {  	[sflag:s20] =	ssyncadd.s32 $0xFFFF3800  }
0xfa: {  	_ =	sfence.sel $0x180000  }
0xfb: {  	[bflag:$0x0] =	sbarrier.arrive $0xFFFF  }
0xfc: {  	_ =	strace $0x90000047  }
0xfd: {  	s0 =	sadd.s32 @!p0 $0x100000, s0;
	[bflag:$0x2] =	sbarrier.arrive $0xFFFF  }
0xfe: {  	[sflag:s0] =	ssyncadd.tile.s32 @!p0 $0x1;
	_ =	shalt  }
.Lfunc_end2:
_tile_overlayer_lowered:
.L_overlay_start_2:
0xff: {  	(tag) =	ssettag $0x2  }
0x100: {  	s0 =	rddreg [dreg:$0x0];
	s2 =	stileid.u32  }
0x101: {  	s1 =	rddreg [dreg:$0x1];
	p0 =	sne.s32 s2, $0x0  }
0x102: {  	s3 =	rddreg [dreg:$0x2];
	[bflag:$0x3] =	sbarrier.arrive $0xFFFF;
	s2 =	simm.s32 @!p0 $0x1C05  }
0x103: {  	[timem:s3], [sflag:s2] =	dma.local @!p0 [hbm:s0], s1  }
0x104: {  	s0 =	simm.s32 @!p0 $0x5  }
0x105: {  	_ =	swait.ge @!p0 [sflag:s0], s1  }
0x106: {  	s1 =	ssub.s32 @!p0 $0x0, s1;
	[sflag:s0] =	ssyncset.done @!p0 $0x0  }
0x107: {  	[sflag:s0] =	ssyncadd.s32 @!p0 s1  }
0x108: {  	[bflag:$0x3] =	sbarrier.arrive $0xFFFF  }
0x109: {  	_ =	shalt  }

</sc_bundles>
